<compile_context>
chip_gen: v7x
topology: tpu7x:2x2x1
jax: 0.10.2.dev20260603
libtpu: 0.0.44.dev20260713+nightly
codegen_flags: <defaults>
</compile_context>

<pallas_src>
import functools
import math
import jax
import jax.numpy as jnp
from jax.experimental import pallas as pl

_UB = 8


def _main(enc_ref, dec_ref, idxp_ref, idxc_ref, embs_ref,
          wqa_ref, bqa_ref, wqs_ref, bqs_ref, wk_ref, bk_ref,
          wd_ref, bd_ref, ptr_ref, h_ref, db_ref, *, C):
    T = enc_ref.shape[1]
    cp = idxp_ref.shape[2]
    V1, Dh = embs_ref.shape
    V = V1 - 1
    A = wk_ref.shape[1]
    R = _UB * cp
    bf16 = jnp.bfloat16
    f32 = jnp.float32
    inv_sqrt_a = 1.0 / math.sqrt(A)

    embs = embs_ref[...]
    embs_bf = embs.astype(bf16)

    qac = jnp.dot(enc_ref[0].astype(bf16), wqa_ref[...].astype(bf16),
                  preferred_element_type=f32) + bqa_ref[...]

    dec8 = dec_ref[0]
    onehot_dec = (dec8 == jax.lax.broadcasted_iota(jnp.int32, (_UB, V), 1)
                  ).astype(f32).astype(bf16)
    semantic = jnp.dot(onehot_dec, embs_bf[:V, :],
                       preferred_element_type=f32)
    qse8 = jnp.dot(semantic.astype(bf16), wqs_ref[...].astype(bf16),
                   preferred_element_type=f32) + bqs_ref[...]

    idx_col = idxc_ref[0].reshape(R, 1)
    idx_pad = idxp_ref[0]
    c_col = jax.lax.broadcasted_iota(jnp.int32, (_UB, cp, 1),
                                     1).reshape(R, 1)
    valid = (c_col < C) & (idx_col >= 0)

    iota_v = jax.lax.broadcasted_iota(jnp.int32, (R, V1), 1)
    G_f = jnp.where(idx_col == iota_v, 1.0, 0.0)
    idx_row_exp = jnp.broadcast_to(idx_pad[:, None, :],
                                   (_UB, cp, cp)).reshape(R, cp)
    lane_c = jax.lax.broadcasted_iota(jnp.int32, (R, cp), 1)
    has_later = jnp.any((idx_col == idx_row_exp) & (lane_c > c_col),
                        axis=1, keepdims=True)
    G = G_f.astype(bf16)
    S = jnp.where(has_later | ~valid, 0.0, G_f).astype(bf16)

    values = jnp.dot(G, embs_bf, preferred_element_type=f32)
    values_bf = values.astype(bf16)
    keys = jnp.dot(values_bf, wk_ref[...].astype(bf16),
                   preferred_element_type=f32) + bk_ref[...]

    qse_exp = jnp.broadcast_to(qse8[:, None, :],
                               (_UB, cp, A)).reshape(R, A)
    rowdot = jnp.sum(qse_exp * keys, axis=1, keepdims=True)
    pen = jnp.where(valid, 0.0, -1.0e9)
    k_aug = jnp.concatenate([keys, rowdot, pen],
                            axis=1).astype(bf16)
    ones_t = jnp.full((T, 2), 1.0, dtype=f32)
    q_aug = jnp.concatenate([qac, ones_t], axis=1).astype(bf16)
    qk = jax.lax.dot_general(q_aug, k_aug, (((1,), (1,)), ((), ())),
                             preferred_element_type=f32)
    logits = qk * inv_sqrt_a

    m = jnp.max(logits, axis=1, keepdims=True)
    e = jnp.exp(logits - m)
    seg_id = jax.lax.broadcasted_iota(jnp.int32, (R, _UB), 0) // cp
    mseg = (seg_id == jax.lax.broadcasted_iota(jnp.int32, (R, _UB), 1)
            ).astype(f32)
    seg_sum = jnp.dot(e, mseg, preferred_element_type=f32)
    denom = jax.lax.dot_general(seg_sum, mseg, (((1,), (1,)), ((), ())),
                                preferred_element_type=f32)
    atten = e / (denom + 1e-30)

    mdiag = (jax.lax.broadcasted_iota(jnp.int32, (_UB, _UB, cp), 1) ==
             jax.lax.broadcasted_iota(jnp.int32, (_UB, _UB, cp), 0)
             ).astype(f32).astype(bf16).reshape(_UB, R)
    a_big = (jnp.broadcast_to(atten.astype(bf16)[:, None, :], (T, _UB, R))
             * mdiag[None]).reshape(T * _UB, R)

    x8 = jnp.dot(a_big, values_bf, preferred_element_type=f32)
    h_ref[0] = x8.reshape(T, _UB, Dh)
    d8 = jnp.dot(x8.astype(bf16), wd_ref[...].astype(bf16),
                 preferred_element_type=f32) + bd_ref[...]
    db_ref[0] = d8.reshape(T, _UB, wd_ref.shape[1])
    p8 = jnp.dot(a_big, S, preferred_element_type=f32)
    ptr_ref[0] = p8.reshape(T, _UB, V1)


def kernel(encoder_out, decoder_in, masks_mat, dec_embed_weight, ooKB_weight,
           Wqa, bqa, Wqs, bqs, Wk, bk, Wd, bd):
    B, T, Eh = encoder_out.shape
    U = decoder_in.shape[1]
    C = masks_mat.shape[2]
    V, Dh = dec_embed_weight.shape
    A = Wk.shape[1]
    J = Wd.shape[1]
    V1 = V + 1
    f32 = jnp.float32

    embs = jnp.concatenate([dec_embed_weight, ooKB_weight], axis=0)

    nu = pl.cdiv(U, _UB)
    u_pad = nu * _UB
    cp = pl.cdiv(C, 8) * 8
    masks_row = masks_mat.astype(jnp.int32)
    masks_pad = jnp.pad(masks_row, ((0, 0), (0, u_pad - U), (0, cp - C)),
                        constant_values=-1)
    masks_pad4 = masks_pad[..., None]
    dec3 = jnp.pad(decoder_in.astype(jnp.int32),
                   ((0, 0), (0, u_pad - U)))[..., None]

    def _half(enc_h, dec_h, maskp_h, maskp4_h):
        Bh = enc_h.shape[0]
        grid = (Bh, nu)
        return pl.pallas_call(
            functools.partial(_main, C=C),
            grid=grid,
        in_specs=[
            pl.BlockSpec((1, T, Eh), lambda b, u: (b, 0, 0)),
            pl.BlockSpec((1, _UB, 1), lambda b, u: (b, u, 0)),
            pl.BlockSpec((1, _UB, cp), lambda b, u: (b, u, 0)),
            pl.BlockSpec((1, _UB, cp, 1), lambda b, u: (b, u, 0, 0)),
            pl.BlockSpec((V1, Dh), lambda b, u: (0, 0)),
            pl.BlockSpec((Eh, A), lambda b, u: (0, 0)),
            pl.BlockSpec((1, A), lambda b, u: (0, 0)),
            pl.BlockSpec((Dh, A), lambda b, u: (0, 0)),
            pl.BlockSpec((1, A), lambda b, u: (0, 0)),
            pl.BlockSpec((Dh, A), lambda b, u: (0, 0)),
            pl.BlockSpec((1, A), lambda b, u: (0, 0)),
            pl.BlockSpec((Dh, J), lambda b, u: (0, 0)),
            pl.BlockSpec((1, J), lambda b, u: (0, 0)),
        ],
        out_specs=[
            pl.BlockSpec((1, T, _UB, V1), lambda b, u: (b, 0, u, 0)),
            pl.BlockSpec((1, T, _UB, Dh), lambda b, u: (b, 0, u, 0)),
            pl.BlockSpec((1, T, _UB, J), lambda b, u: (b, 0, u, 0)),
        ],
        out_shape=(
            jax.ShapeDtypeStruct((Bh, T, U, V1), f32),
            jax.ShapeDtypeStruct((Bh, T, U, Dh), f32),
            jax.ShapeDtypeStruct((Bh, T, U, J), f32),
        ),
        )(enc_h, dec_h, maskp_h, maskp4_h, embs,
          Wqa, bqa.reshape(1, A), Wqs, bqs.reshape(1, A), Wk, bk.reshape(1, A),
          Wd, bd.reshape(1, J))

    bh = B // 2 if B % 2 == 0 and B > 1 else B
    parts = []
    for s in range(0, B, bh):
        parts.append(_half(encoder_out[s:s + bh], dec3[s:s + bh],
                           masks_pad[s:s + bh], masks_pad4[s:s + bh]))
    if len(parts) == 1:
        return parts[0]
    ptr = jnp.concatenate([p[0] for p in parts], axis=0)
    h_ptr = jnp.concatenate([p[1] for p in parts], axis=0)
    dbias = jnp.concatenate([p[2] for p in parts], axis=0)
    return (ptr, h_ptr, dbias)

# --- scband reference (transcript-rebuilt; emitter-appended) ---
"""Pipeline reference for scband-tcpgen-prototype-56272661512624 (READ-ONLY COPY).

The authoritative reference and input builder live on the scoring server;
editing this copy changes nothing except your own understanding.
"""

import math
import jax, jax.numpy as jnp
import numpy as np

B, T, U, C = 4, 100, 50, 100
V, Eh, Dh, A, J = 1000, 512, 256, 256, 512

def setup_inputs(seed: int = 0) -> dict:
    key = jax.random.key(seed)
    ks = jax.random.split(key, 10)
    inp = {}
    inp["encoder_out"] = jax.random.normal(ks[0], (B, T, Eh), dtype=jnp.float32)
    inp["decoder_in"] = jax.random.randint(ks[1], (B, U), 0, V)
    inp["masks_mat"] = jax.random.randint(ks[2], (B, U, C), 0, V + 1)
    inp["dec_embed_weight"] = jax.random.normal(ks[3], (V, Dh), dtype=jnp.float32) * 0.02
    inp["ooKB_weight"] = jax.random.normal(ks[4], (1, Dh), dtype=jnp.float32) * 0.02
    def lin(k, fan_in, fan_out):
        return jax.random.normal(k, (fan_in, fan_out), dtype=jnp.float32) / np.sqrt(fan_in)
    inp["Wqa"] = lin(ks[5], Eh, A); inp["bqa"] = jnp.zeros((A,), dtype=jnp.float32)
    inp["Wqs"] = lin(ks[6], Dh, A); inp["bqs"] = jnp.zeros((A,), dtype=jnp.float32)
    inp["Wk"] = lin(ks[7], Dh, A); inp["bk"] = jnp.zeros((A,), dtype=jnp.float32)
    inp["Wd"] = lin(ks[8], A, J); inp["bd"] = jnp.zeros((J,), dtype=jnp.float32)
    return inp

def reference(encoder_out, decoder_in, masks_mat, dec_embed_weight, ooKB_weight, Wqa, bqa, Wqs, bqs, Wk, bk, Wd, bd):
    pad_value = -1
    Vv, Dhv = dec_embed_weight.shape
    Av = Wk.shape[1]
    Bv, Tv = encoder_out.shape[0], encoder_out.shape[1]
    Uv, Cv = masks_mat.shape[1], masks_mat.shape[2]
    # semantic query from embedding lookup (dropout = identity, eval mode)
    semantic = jnp.take(dec_embed_weight, decoder_in, axis=0)            # [B,U,Dh]
    q_ac = (encoder_out @ Wqa + bqa)[:, :, None, :]                       # [B,T,1,A]
    q_se = (semantic @ Wqs + bqs)[:, None, :, :]                          # [B,1,U,A]
    queries = q_ac + q_se                                                 # [B,T,U,A]
    # gather biasing-tree node embeddings (memory-bound gather)
    embs = jnp.concatenate([dec_embed_weight, ooKB_weight], axis=0)       # [V+1,Dh]
    gathered = embs[masks_mat]                                            # [B,U,C,Dh]
    keys = gathered @ Wk + bk                                             # [B,U,C,A]
    values = gathered                                                     # [B,U,C,Dh]
    masks = (masks_mat == pad_value)[:, None, :, :]                       # [B,1,U,C]
    masks_b = jnp.broadcast_to(masks, (Bv, Tv, Uv, Cv))
    atten = jnp.einsum('buca,btua->btuc', keys, queries) / math.sqrt(Av)
    atten = jnp.where(masks_b, -1.0e9, atten)
    atten = jax.nn.softmax(atten, axis=-1)
    x = jnp.einsum('bucd,btuc->btud', values, atten)                      # [B,T,U,Dh]
    # scatter attention mass into vocab-sized distribution (scatter-overwrite)
    idx = jnp.broadcast_to(masks_mat[:, None, :, :], (Bv, Tv, Uv, Cv))
    idx = jnp.where(masks_b, Vv + 1, idx)
    bi = jnp.arange(Bv)[:, None, None, None]
    ti = jnp.arange(Tv)[None, :, None, None]
    ui = jnp.arange(Uv)[None, None, :, None]
    ptr_full = jnp.zeros((Bv, Tv, Uv, Vv + 2), dtype=atten.dtype).at[bi, ti, ui, idx].set(atten)
    ptr_dist = ptr_full[:, :, :, :Vv + 1]
    h_ptr = x
    dbias = x @ Wd + bd
    return (ptr_dist, h_ptr, dbias)

if __name__ == "__main__":
    import jax
    _d = setup_inputs()
    print(jax.jit(kernel)(*tuple(_d.values())))

</pallas_src>

<mosaic_0001>
module attributes {stable_mosaic.version = 14 : i64} {
  func.func @_main(%arg0: i32, %arg1: i32, %arg2: memref<1x100x512xf32, #tpu.memory_space<vmem>>, %arg3: memref<1x8x1xi32, #tpu.memory_space<vmem>>, %arg4: memref<1x8x104xi32, #tpu.memory_space<vmem>>, %arg5: memref<1x8x104x1xi32, #tpu.memory_space<vmem>>, %arg6: memref<1001x256xf32, #tpu.memory_space<vmem>>, %arg7: memref<512x256xf32, #tpu.memory_space<vmem>>, %arg8: memref<1x256xf32, #tpu.memory_space<vmem>>, %arg9: memref<256x256xf32, #tpu.memory_space<vmem>>, %arg10: memref<1x256xf32, #tpu.memory_space<vmem>>, %arg11: memref<256x256xf32, #tpu.memory_space<vmem>>, %arg12: memref<1x256xf32, #tpu.memory_space<vmem>>, %arg13: memref<256x512xf32, #tpu.memory_space<vmem>>, %arg14: memref<1x512xf32, #tpu.memory_space<vmem>>, %arg15: memref<1x100x8x1001xf32, #tpu.memory_space<vmem>>, %arg16: memref<1x100x8x256xf32, #tpu.memory_space<vmem>>, %arg17: memref<1x100x8x512xf32, #tpu.memory_space<vmem>>) attributes {dimension_semantics = [#tpu.dimension_semantics<arbitrary>, #tpu.dimension_semantics<arbitrary>], iteration_bounds = array<i64: 2, 7>, scalar_prefetch = 0 : i64, scratch_operands = 0 : i64, tpu.core_type = #tpu.core_type<tc>, window_params = [{transform_indices = @transform_0, window_bounds = array<i64: 1, 100, 512>}, {transform_indices = @transform_1, window_bounds = array<i64: 1, 8, 1>}, {transform_indices = @transform_2, window_bounds = array<i64: 1, 8, 104>}, {transform_indices = @transform_3, window_bounds = array<i64: 1, 8, 104, 1>}, {pipeline_mode = #tpu.pipeline_mode<synchronous>, transform_indices = @transform_4, window_bounds = array<i64: 1001, 256>}, {pipeline_mode = #tpu.pipeline_mode<synchronous>, transform_indices = @transform_5, window_bounds = array<i64: 512, 256>}, {pipeline_mode = #tpu.pipeline_mode<synchronous>, transform_indices = @transform_6, window_bounds = array<i64: 1, 256>}, {pipeline_mode = #tpu.pipeline_mode<synchronous>, transform_indices = @transform_7, window_bounds = array<i64: 256, 256>}, {pipeline_mode = #tpu.pipeline_mode<synchronous>, transform_indices = @transform_8, window_bounds = array<i64: 1, 256>}, {pipeline_mode = #tpu.pipeline_mode<synchronous>, transform_indices = @transform_9, window_bounds = array<i64: 256, 256>}, {pipeline_mode = #tpu.pipeline_mode<synchronous>, transform_indices = @transform_10, window_bounds = array<i64: 1, 256>}, {pipeline_mode = #tpu.pipeline_mode<synchronous>, transform_indices = @transform_11, window_bounds = array<i64: 256, 512>}, {pipeline_mode = #tpu.pipeline_mode<synchronous>, transform_indices = @transform_12, window_bounds = array<i64: 1, 512>}, {transform_indices = @transform_13, window_bounds = array<i64: 1, 100, 8, 1001>}, {transform_indices = @transform_14, window_bounds = array<i64: 1, 100, 8, 256>}, {transform_indices = @transform_15, window_bounds = array<i64: 1, 100, 8, 512>}]} {
    %get3A = arith.constant 0 : index
    %get3A_0 = arith.constant 0 : index
    %get3A_1 = vector.load %arg6[%get3A, %get3A_0] : memref<1001x256xf32, #tpu.memory_space<vmem>>, vector<1001x256xf32>
    %convert_element_type3A = arith.truncf %get3A_1 : vector<1001x256xf32> to vector<1001x256xbf16>
    %get3A_2 = arith.constant 0 : index
    %get3A_3 = arith.constant 0 : index
    %get3A_4 = arith.constant 0 : index
    %get3A_5 = vector.load %arg2[%get3A_2, %get3A_3, %get3A_4] : memref<1x100x512xf32, #tpu.memory_space<vmem>>, vector<1x100x512xf32>
    %get3A_6 = vector.shape_cast %get3A_5 : vector<1x100x512xf32> to vector<100x512xf32>
    %convert_element_type3A_7 = arith.truncf %get3A_6 : vector<100x512xf32> to vector<100x512xbf16>
    %get3A_8 = arith.constant 0 : index
    %get3A_9 = arith.constant 0 : index
    %get3A_10 = vector.load %arg7[%get3A_8, %get3A_9] : memref<512x256xf32, #tpu.memory_space<vmem>>, vector<512x256xf32>
    %convert_element_type3A_11 = arith.truncf %get3A_10 : vector<512x256xf32> to vector<512x256xbf16>
    %dot_general3A = arith.constant dense<0.000000e+00> : vector<100x256xf32>
    %dot_general3A_12 = tpu.matmul %convert_element_type3A_7, %convert_element_type3A_11, %dot_general3A {dimension_numbers = #tpu.dot_dimension_numbers<[1], [0], [0], [1], [0, 0, 1, 1], [], []>, transpose_lhs_hint = false} : vector<100x512xbf16>, vector<512x256xbf16>, vector<100x256xf32> -> vector<100x256xf32>
    %get3A_13 = arith.constant 0 : index
    %get3A_14 = arith.constant 0 : index
    %get3A_15 = vector.load %arg8[%get3A_13, %get3A_14] : memref<1x256xf32, #tpu.memory_space<vmem>>, vector<1x256xf32>
    %add3A = vector.broadcast %get3A_15 : vector<1x256xf32> to vector<100x256xf32>
    %add3A_16 = arith.addf %dot_general3A_12, %add3A : vector<100x256xf32>
    %get3A_17 = arith.constant 0 : index
    %get3A_18 = arith.constant 0 : index
    %get3A_19 = arith.constant 0 : index
    %get3A_20 = vector.load %arg3[%get3A_17, %get3A_18, %get3A_19] : memref<1x8x1xi32, #tpu.memory_space<vmem>>, vector<1x8x1xi32>
    %get3A_21 = vector.shape_cast %get3A_20 : vector<1x8x1xi32> to vector<8x1xi32>
    %iota3A = tpu.iota {dimensions = array<i32: 1>} : vector<8x1000xi32>
    %eq3A = vector.broadcast %get3A_21 : vector<8x1xi32> to vector<8x1000xi32>
    %eq3A_22 = arith.cmpi eq, %eq3A, %iota3A : vector<8x1000xi32>
    %convert_element_type3A_23 = arith.extui %eq3A_22 : vector<8x1000xi1> to vector<8x1000xi32>
    %convert_element_type3A_24 = arith.sitofp %convert_element_type3A_23 : vector<8x1000xi32> to vector<8x1000xf32>
    %convert_element_type3A_25 = arith.truncf %convert_element_type3A_24 : vector<8x1000xf32> to vector<8x1000xbf16>
    %slice3A = vector.extract_strided_slice %convert_element_type3A {offsets = [0, 0], sizes = [1000, 256], strides = [1, 1]} : vector<1001x256xbf16> to vector<1000x256xbf16>
    %dot_general3A_26 = arith.constant dense<0.000000e+00> : vector<8x256xf32>
    %dot_general3A_27 = tpu.matmul %convert_element_type3A_25, %slice3A, %dot_general3A_26 {dimension_numbers = #tpu.dot_dimension_numbers<[1], [0], [0], [1], [0, 0, 1, 1], [], []>, transpose_lhs_hint = false} : vector<8x1000xbf16>, vector<1000x256xbf16>, vector<8x256xf32> -> vector<8x256xf32>
    %convert_element_type3A_28 = arith.truncf %dot_general3A_27 : vector<8x256xf32> to vector<8x256xbf16>
    %get3A_29 = arith.constant 0 : index
    %get3A_30 = arith.constant 0 : index
    %get3A_31 = vector.load %arg9[%get3A_29, %get3A_30] : memref<256x256xf32, #tpu.memory_space<vmem>>, vector<256x256xf32>
    %convert_element_type3A_32 = arith.truncf %get3A_31 : vector<256x256xf32> to vector<256x256xbf16>
    %dot_general3A_33 = arith.constant dense<0.000000e+00> : vector<8x256xf32>
    %dot_general3A_34 = tpu.matmul %convert_element_type3A_28, %convert_element_type3A_32, %dot_general3A_33 {dimension_numbers = #tpu.dot_dimension_numbers<[1], [0], [0], [1], [0, 0, 1, 1], [], []>, transpose_lhs_hint = false} : vector<8x256xbf16>, vector<256x256xbf16>, vector<8x256xf32> -> vector<8x256xf32>
    %get3A_35 = arith.constant 0 : index
    %get3A_36 = arith.constant 0 : index
    %get3A_37 = vector.load %arg10[%get3A_35, %get3A_36] : memref<1x256xf32, #tpu.memory_space<vmem>>, vector<1x256xf32>
    %add3A_38 = vector.broadcast %get3A_37 : vector<1x256xf32> to vector<8x256xf32>
    %add3A_39 = arith.addf %dot_general3A_34, %add3A_38 : vector<8x256xf32>
    %get3A_40 = arith.constant 0 : index
    %get3A_41 = arith.constant 0 : index
    %get3A_42 = arith.constant 0 : index
    %get3A_43 = arith.constant 0 : index
    %get3A_44 = vector.load %arg5[%get3A_40, %get3A_41, %get3A_42, %get3A_43] : memref<1x8x104x1xi32, #tpu.memory_space<vmem>>, vector<1x8x104x1xi32>
    %get3A_45 = vector.shape_cast %get3A_44 : vector<1x8x104x1xi32> to vector<8x104x1xi32>
    %reshape3A = vector.shape_cast %get3A_45 : vector<8x104x1xi32> to vector<832x1xi32>
    %get3A_46 = arith.constant 0 : index
    %get3A_47 = arith.constant 0 : index
    %get3A_48 = arith.constant 0 : index
    %get3A_49 = vector.load %arg4[%get3A_46, %get3A_47, %get3A_48] : memref<1x8x104xi32, #tpu.memory_space<vmem>>, vector<1x8x104xi32>
    %get3A_50 = vector.shape_cast %get3A_49 : vector<1x8x104xi32> to vector<8x104xi32>
    %iota3A_51 = tpu.iota {dimensions = array<i32: 1>} : vector<8x104x1xi32>
    %reshape3A_52 = vector.shape_cast %iota3A_51 : vector<8x104x1xi32> to vector<832x1xi32>
    %lt3A = arith.constant 100 : i32
    %lt3A_53 = vector.broadcast %lt3A : i32 to vector<832x1xi32>
    %lt3A_54 = arith.cmpi slt, %reshape3A_52, %lt3A_53 : vector<832x1xi32>
    %ge3A = arith.constant 0 : i32
    %ge3A_55 = vector.broadcast %ge3A : i32 to vector<832x1xi32>
    %ge3A_56 = arith.cmpi sge, %reshape3A, %ge3A_55 : vector<832x1xi32>
    %and3A = arith.andi %lt3A_54, %ge3A_56 : vector<832x1xi1>
    %iota3A_57 = tpu.iota {dimensions = array<i32: 1>} : vector<832x1001xi32>
    %eq3A_58 = vector.broadcast %reshape3A : vector<832x1xi32> to vector<832x1001xi32>
    %eq3A_59 = arith.cmpi eq, %eq3A_58, %iota3A_57 : vector<832x1001xi32>
    %jit3A = arith.constant 1.000000e+00 : f32
    %jit3A_60 = arith.constant 0.000000e+00 : f32
    %broadcast_in_dim3A = vector.broadcast %jit3A : f32 to vector<832x1001xf32>
    %broadcast_in_dim3A_61 = vector.broadcast %jit3A_60 : f32 to vector<832x1001xf32>
    %select_n3A = arith.select %eq3A_59, %broadcast_in_dim3A, %broadcast_in_dim3A_61 : vector<832x1001xi1>, vector<832x1001xf32>
    %broadcast_in_dim3A_62 = vector.shape_cast %get3A_50 : vector<8x104xi32> to vector<8x1x104xi32>
    %broadcast_in_dim3A_63 = vector.shape_cast %broadcast_in_dim3A_62 : vector<8x1x104xi32> to vector<8x1x104xi32>
    %broadcast_in_dim3A_64 = vector.broadcast %broadcast_in_dim3A_63 : vector<8x1x104xi32> to vector<8x104x104xi32>
    %reshape3A_65 = vector.shape_cast %broadcast_in_dim3A_64 : vector<8x104x104xi32> to vector<832x104xi32>
    %iota3A_66 = tpu.iota {dimensions = array<i32: 1>} : vector<832x104xi32>
    %eq3A_67 = vector.broadcast %reshape3A : vector<832x1xi32> to vector<832x104xi32>
    %eq3A_68 = arith.cmpi eq, %eq3A_67, %reshape3A_65 : vector<832x104xi32>
    %gt3A = vector.broadcast %reshape3A_52 : vector<832x1xi32> to vector<832x104xi32>
    %gt3A_69 = arith.cmpi sgt, %iota3A_66, %gt3A : vector<832x104xi32>
    %and3A_70 = arith.andi %eq3A_68, %gt3A_69 : vector<832x104xi1>
    %reduce_or3A = arith.constant 1.000000e+00 : f32
    %reduce_or3A_71 = arith.constant 0.000000e+00 : f32
    %reduce_or3A_72 = vector.broadcast %reduce_or3A : f32 to vector<832x104xf32>
    %reduce_or3A_73 = vector.broadcast %reduce_or3A_71 : f32 to vector<832x104xf32>
    %reduce_or3A_74 = arith.select %and3A_70, %reduce_or3A_72, %reduce_or3A_73 : vector<832x104xi1>, vector<832x104xf32>
    %reduce_or3A_75 = arith.constant dense<0xFF800000> : vector<832xf32>
    %reduce_or3A_76 = vector.multi_reduction <maximumf>, %reduce_or3A_74, %reduce_or3A_75 [1] : vector<832x104xf32> to vector<832xf32>
    %reduce_or3A_77 = arith.constant 0.000000e+00 : f32
    %reduce_or3A_78 = vector.broadcast %reduce_or3A_77 : f32 to vector<832xf32>
    %reduce_or3A_79 = arith.cmpf ogt, %reduce_or3A_76, %reduce_or3A_78 : vector<832xf32>
    %broadcast_in_dim3A_80 = vector.shape_cast %reduce_or3A_79 : vector<832xi1> to vector<832x1xi1>
    %convert_element_type3A_81 = arith.truncf %select_n3A : vector<832x1001xf32> to vector<832x1001xbf16>
    %not3A = arith.constant dense<true> : vector<832x1xi1>
    %not3A_82 = arith.xori %and3A, %not3A : vector<832x1xi1>
    %or3A = arith.ori %broadcast_in_dim3A_80, %not3A_82 : vector<832x1xi1>
    %jit3A_83 = arith.constant 0.000000e+00 : f32
    %broadcast_in_dim3A_84 = vector.shape_cast %or3A : vector<832x1xi1> to vector<832x1xi1>
    %broadcast_in_dim3A_85 = vector.broadcast %broadcast_in_dim3A_84 : vector<832x1xi1> to vector<832x1001xi1>
    %broadcast_in_dim3A_86 = vector.broadcast %jit3A_83 : f32 to vector<832x1001xf32>
    %select_n3A_87 = arith.select %broadcast_in_dim3A_85, %broadcast_in_dim3A_86, %select_n3A : vector<832x1001xi1>, vector<832x1001xf32>
    %convert_element_type3A_88 = arith.truncf %select_n3A_87 : vector<832x1001xf32> to vector<832x1001xbf16>
    %dot_general3A_89 = arith.constant dense<0.000000e+00> : vector<832x256xf32>
    %dot_general3A_90 = tpu.matmul %convert_element_type3A_81, %convert_element_type3A, %dot_general3A_89 {dimension_numbers = #tpu.dot_dimension_numbers<[1], [0], [0], [1], [0, 0, 1, 1], [], []>, transpose_lhs_hint = false} : vector<832x1001xbf16>, vector<1001x256xbf16>, vector<832x256xf32> -> vector<832x256xf32>
    %convert_element_type3A_91 = arith.truncf %dot_general3A_90 : vector<832x256xf32> to vector<832x256xbf16>
    %get3A_92 = arith.constant 0 : index
    %get3A_93 = arith.constant 0 : index
    %get3A_94 = vector.load %arg11[%get3A_92, %get3A_93] : memref<256x256xf32, #tpu.memory_space<vmem>>, vector<256x256xf32>
    %convert_element_type3A_95 = arith.truncf %get3A_94 : vector<256x256xf32> to vector<256x256xbf16>
    %dot_general3A_96 = arith.constant dense<0.000000e+00> : vector<832x256xf32>
    %dot_general3A_97 = tpu.matmul %convert_element_type3A_91, %convert_element_type3A_95, %dot_general3A_96 {dimension_numbers = #tpu.dot_dimension_numbers<[1], [0], [0], [1], [0, 0, 1, 1], [], []>, transpose_lhs_hint = false} : vector<832x256xbf16>, vector<256x256xbf16>, vector<832x256xf32> -> vector<832x256xf32>
    %get3A_98 = arith.constant 0 : index
    %get3A_99 = arith.constant 0 : index
    %get3A_100 = vector.load %arg12[%get3A_98, %get3A_99] : memref<1x256xf32, #tpu.memory_space<vmem>>, vector<1x256xf32>
    %add3A_101 = vector.broadcast %get3A_100 : vector<1x256xf32> to vector<832x256xf32>
    %add3A_102 = arith.addf %dot_general3A_97, %add3A_101 : vector<832x256xf32>
    %broadcast_in_dim3A_103 = vector.shape_cast %add3A_39 : vector<8x256xf32> to vector<8x1x256xf32>
    %broadcast_in_dim3A_104 = vector.shape_cast %broadcast_in_dim3A_103 : vector<8x1x256xf32> to vector<8x1x256xf32>
    %broadcast_in_dim3A_105 = vector.broadcast %broadcast_in_dim3A_104 : vector<8x1x256xf32> to vector<8x104x256xf32>
    %reshape3A_106 = vector.shape_cast %broadcast_in_dim3A_105 : vector<8x104x256xf32> to vector<832x256xf32>
    %mul3A = arith.mulf %reshape3A_106, %add3A_102 : vector<832x256xf32>
    %reduce_sum3A = arith.constant dense<0.000000e+00> : vector<832xf32>
    %reduce_sum3A_107 = vector.multi_reduction <add>, %mul3A, %reduce_sum3A [1] : vector<832x256xf32> to vector<832xf32>
    %broadcast_in_dim3A_108 = vector.shape_cast %reduce_sum3A_107 : vector<832xf32> to vector<832x1xf32>
    %jit3A_109 = arith.constant 0.000000e+00 : f32
    %jit3A_110 = arith.constant -1.000000e+09 : f32
    %broadcast_in_dim3A_111 = vector.broadcast %jit3A_109 : f32 to vector<832x1xf32>
    %broadcast_in_dim3A_112 = vector.broadcast %jit3A_110 : f32 to vector<832x1xf32>
    %select_n3A_113 = arith.select %and3A, %broadcast_in_dim3A_111, %broadcast_in_dim3A_112 : vector<832x1xi1>, vector<832x1xf32>
    %concatenate3A = tpu.concatenate %add3A_102, %broadcast_in_dim3A_108, %select_n3A_113 in 1 : vector<832x256xf32>, vector<832x1xf32>, vector<832x1xf32> -> vector<832x258xf32>
    %convert_element_type3A_114 = arith.truncf %concatenate3A : vector<832x258xf32> to vector<832x258xbf16>
    %broadcast_in_dim3A_115 = arith.constant 1.000000e+00 : f32
    %broadcast_in_dim3A_116 = vector.broadcast %broadcast_in_dim3A_115 : f32 to vector<100x2xf32>
    %concatenate3A_117 = tpu.concatenate %add3A_16, %broadcast_in_dim3A_116 in 1 : vector<100x256xf32>, vector<100x2xf32> -> vector<100x258xf32>
    %convert_element_type3A_118 = arith.truncf %concatenate3A_117 : vector<100x258xf32> to vector<100x258xbf16>
    %dot_general3A_119 = arith.constant dense<0.000000e+00> : vector<100x832xf32>
    %dot_general3A_120 = tpu.matmul %convert_element_type3A_118, %convert_element_type3A_114, %dot_general3A_119 {dimension_numbers = #tpu.dot_dimension_numbers<[1], [1], [0], [0], [0, 0, 1, 0], [], []>, transpose_lhs_hint = false} : vector<100x258xbf16>, vector<832x258xbf16>, vector<100x832xf32> -> vector<100x832xf32>
    %mul3A_121 = arith.constant 6.250000e-02 : f32
    %mul3A_122 = vector.broadcast %mul3A_121 : f32 to vector<100x832xf32>
    %mul3A_123 = arith.mulf %dot_general3A_120, %mul3A_122 : vector<100x832xf32>
    %reduce_max3A = arith.constant dense<0xFF800000> : vector<100xf32>
    %reduce_max3A_124 = vector.multi_reduction <maximumf>, %mul3A_123, %reduce_max3A [1] : vector<100x832xf32> to vector<100xf32>
    %broadcast_in_dim3A_125 = vector.shape_cast %reduce_max3A_124 : vector<100xf32> to vector<100x1xf32>
    %sub3A = vector.broadcast %broadcast_in_dim3A_125 : vector<100x1xf32> to vector<100x832xf32>
    %sub3A_126 = arith.subf %mul3A_123, %sub3A : vector<100x832xf32>
    %exp3A = math.exp %sub3A_126 : vector<100x832xf32>
    %iota3A_127 = tpu.iota {dimensions = array<i32: 0>} : vector<832x8xi32>
    %jit3A_128 = arith.constant 104 : i32
    %div3A = vector.broadcast %jit3A_128 : i32 to vector<832x8xi32>
    %div3A_129 = arith.divsi %iota3A_127, %div3A : vector<832x8xi32>
    %sign3A = arith.constant 0 : i32
    %sign3A_130 = vector.broadcast %sign3A : i32 to vector<832x8xi32>
    %sign3A_131 = arith.cmpi sgt, %iota3A_127, %sign3A_130 : vector<832x8xi32>
    %sign3A_132 = arith.extui %sign3A_131 : vector<832x8xi1> to vector<832x8xi32>
    %sign3A_133 = arith.constant 0 : i32
    %sign3A_134 = vector.broadcast %sign3A_133 : i32 to vector<832x8xi32>
    %sign3A_135 = arith.cmpi slt, %iota3A_127, %sign3A_134 : vector<832x8xi32>
    %sign3A_136 = arith.extui %sign3A_135 : vector<832x8xi1> to vector<832x8xi32>
    %sign3A_137 = arith.subi %sign3A_132, %sign3A_136 : vector<832x8xi32>
    %sign3A_138 = arith.constant 0 : i32
    %sign3A_139 = arith.cmpi sgt, %jit3A_128, %sign3A_138 : i32
    %sign3A_140 = arith.extui %sign3A_139 : i1 to i32
    %sign3A_141 = arith.constant 0 : i32
    %sign3A_142 = arith.cmpi slt, %jit3A_128, %sign3A_141 : i32
    %sign3A_143 = arith.extui %sign3A_142 : i1 to i32
    %sign3A_144 = arith.subi %sign3A_140, %sign3A_143 : i32
    %ne3A = vector.broadcast %sign3A_144 : i32 to vector<832x8xi32>
    %ne3A_145 = arith.cmpi ne, %sign3A_137, %ne3A : vector<832x8xi32>
    %rem3A = vector.broadcast %jit3A_128 : i32 to vector<832x8xi32>
    %rem3A_146 = arith.remsi %iota3A_127, %rem3A : vector<832x8xi32>
    %ne3A_147 = arith.constant 0 : i32
    %ne3A_148 = vector.broadcast %ne3A_147 : i32 to vector<832x8xi32>
    %ne3A_149 = arith.cmpi ne, %rem3A_146, %ne3A_148 : vector<832x8xi32>
    %and3A_150 = arith.andi %ne3A_145, %ne3A_149 : vector<832x8xi1>
    %sub3A_151 = arith.constant 1 : i32
    %sub3A_152 = vector.broadcast %sub3A_151 : i32 to vector<832x8xi32>
    %sub3A_153 = arith.subi %div3A_129, %sub3A_152 : vector<832x8xi32>
    %select_n3A_154 = arith.select %and3A_150, %sub3A_153, %div3A_129 : vector<832x8xi1>, vector<832x8xi32>
    %iota3A_155 = tpu.iota {dimensions = array<i32: 1>} : vector<832x8xi32>
    %eq3A_156 = arith.cmpi eq, %select_n3A_154, %iota3A_155 : vector<832x8xi32>
    %convert_element_type3A_157 = arith.extui %eq3A_156 : vector<832x8xi1> to vector<832x8xi32>
    %convert_element_type3A_158 = arith.sitofp %convert_element_type3A_157 : vector<832x8xi32> to vector<832x8xf32>
    %dot_general3A_159 = arith.constant dense<0.000000e+00> : vector<100x8xf32>
    %dot_general3A_160 = tpu.matmul %exp3A, %convert_element_type3A_158, %dot_general3A_159 {dimension_numbers = #tpu.dot_dimension_numbers<[1], [0], [0], [1], [0, 0, 1, 1], [], []>, transpose_lhs_hint = false} : vector<100x832xf32>, vector<832x8xf32>, vector<100x8xf32> -> vector<100x8xf32>
    %dot_general3A_161 = arith.constant dense<0.000000e+00> : vector<100x832xf32>
    %dot_general3A_162 = tpu.matmul %dot_general3A_160, %convert_element_type3A_158, %dot_general3A_161 {dimension_numbers = #tpu.dot_dimension_numbers<[1], [1], [0], [0], [0, 0, 1, 0], [], []>, transpose_lhs_hint = false} : vector<100x8xf32>, vector<832x8xf32>, vector<100x832xf32> -> vector<100x832xf32>
    %add3A_163 = arith.constant 1.000000e-30 : f32
    %add3A_164 = vector.broadcast %add3A_163 : f32 to vector<100x832xf32>
    %add3A_165 = arith.addf %dot_general3A_162, %add3A_164 : vector<100x832xf32>
    %div3A_166 = arith.divf %exp3A, %add3A_165 : vector<100x832xf32>
    %iota3A_167 = tpu.iota {dimensions = array<i32: 1>} : vector<8x8x104xi32>
    %iota3A_168 = tpu.iota {dimensions = array<i32: 0>} : vector<8x8x104xi32>
    %eq3A_169 = arith.cmpi eq, %iota3A_167, %iota3A_168 : vector<8x8x104xi32>
    %convert_element_type3A_170 = arith.extui %eq3A_169 : vector<8x8x104xi1> to vector<8x8x104xi32>
    %convert_element_type3A_171 = arith.sitofp %convert_element_type3A_170 : vector<8x8x104xi32> to vector<8x8x104xf32>
    %convert_element_type3A_172 = arith.truncf %convert_element_type3A_171 : vector<8x8x104xf32> to vector<8x8x104xbf16>
    %reshape3A_173 = vector.shape_cast %convert_element_type3A_172 : vector<8x8x104xbf16> to vector<8x832xbf16>
    %convert_element_type3A_174 = arith.truncf %div3A_166 : vector<100x832xf32> to vector<100x832xbf16>
    %broadcast_in_dim3A_175 = vector.shape_cast %convert_element_type3A_174 : vector<100x832xbf16> to vector<100x1x832xbf16>
    %broadcast_in_dim3A_176 = vector.shape_cast %broadcast_in_dim3A_175 : vector<100x1x832xbf16> to vector<100x1x832xbf16>
    %broadcast_in_dim3A_177 = vector.broadcast %broadcast_in_dim3A_176 : vector<100x1x832xbf16> to vector<100x8x832xbf16>
    %broadcast_in_dim3A_178 = vector.shape_cast %reshape3A_173 : vector<8x832xbf16> to vector<1x8x832xbf16>
    %mul3A_179 = vector.broadcast %broadcast_in_dim3A_178 : vector<1x8x832xbf16> to vector<100x8x832xbf16>
    %mul3A_180 = arith.mulf %broadcast_in_dim3A_177, %mul3A_179 : vector<100x8x832xbf16>
    %reshape3A_181 = vector.shape_cast %mul3A_180 : vector<100x8x832xbf16> to vector<800x832xbf16>
    %dot_general3A_182 = arith.constant dense<0.000000e+00> : vector<800x256xf32>
    %dot_general3A_183 = tpu.matmul %reshape3A_181, %convert_element_type3A_91, %dot_general3A_182 {dimension_numbers = #tpu.dot_dimension_numbers<[1], [0], [0], [1], [0, 0, 1, 1], [], []>, transpose_lhs_hint = false} : vector<800x832xbf16>, vector<832x256xbf16>, vector<800x256xf32> -> vector<800x256xf32>
    %reshape3A_184 = vector.shape_cast %dot_general3A_183 : vector<800x256xf32> to vector<100x8x256xf32>
    %swap3A = arith.constant 0 : index
    %swap3A_185 = arith.constant 0 : index
    %swap3A_186 = arith.constant 0 : index
    %swap3A_187 = arith.constant 0 : index
    %swap3A_188 = vector.load %arg16[%swap3A, %swap3A_185, %swap3A_186, %swap3A_187] : memref<1x100x8x256xf32, #tpu.memory_space<vmem>>, vector<1x100x8x256xf32>
    %swap3A_189 = vector.shape_cast %swap3A_188 : vector<1x100x8x256xf32> to vector<100x8x256xf32>
    %swap3A_190 = vector.shape_cast %reshape3A_184 : vector<100x8x256xf32> to vector<1x100x8x256xf32>
    tpu.vector_store %arg16[%swap3A, %swap3A_185, %swap3A_186, %swap3A_187], %swap3A_190 {strides = array<i32>} : memref<1x100x8x256xf32, #tpu.memory_space<vmem>>, vector<1x100x8x256xf32>,
    %convert_element_type3A_191 = arith.truncf %dot_general3A_183 : vector<800x256xf32> to vector<800x256xbf16>
    %get3A_192 = arith.constant 0 : index
    %get3A_193 = arith.constant 0 : index
    %get3A_194 = vector.load %arg13[%get3A_192, %get3A_193] : memref<256x512xf32, #tpu.memory_space<vmem>>, vector<256x512xf32>
    %convert_element_type3A_195 = arith.truncf %get3A_194 : vector<256x512xf32> to vector<256x512xbf16>
    %dot_general3A_196 = arith.constant dense<0.000000e+00> : vector<800x512xf32>
    %dot_general3A_197 = tpu.matmul %convert_element_type3A_191, %convert_element_type3A_195, %dot_general3A_196 {dimension_numbers = #tpu.dot_dimension_numbers<[1], [0], [0], [1], [0, 0, 1, 1], [], []>, transpose_lhs_hint = false} : vector<800x256xbf16>, vector<256x512xbf16>, vector<800x512xf32> -> vector<800x512xf32>
    %get3A_198 = arith.constant 0 : index
    %get3A_199 = arith.constant 0 : index
    %get3A_200 = vector.load %arg14[%get3A_198, %get3A_199] : memref<1x512xf32, #tpu.memory_space<vmem>>, vector<1x512xf32>
    %add3A_201 = vector.broadcast %get3A_200 : vector<1x512xf32> to vector<800x512xf32>
    %add3A_202 = arith.addf %dot_general3A_197, %add3A_201 : vector<800x512xf32>
    %reshape3A_203 = vector.shape_cast %add3A_202 : vector<800x512xf32> to vector<100x8x512xf32>
    %swap3A_204 = arith.constant 0 : index
    %swap3A_205 = arith.constant 0 : index
    %swap3A_206 = arith.constant 0 : index
    %swap3A_207 = arith.constant 0 : index
    %swap3A_208 = vector.load %arg17[%swap3A_204, %swap3A_205, %swap3A_206, %swap3A_207] : memref<1x100x8x512xf32, #tpu.memory_space<vmem>>, vector<1x100x8x512xf32>
    %swap3A_209 = vector.shape_cast %swap3A_208 : vector<1x100x8x512xf32> to vector<100x8x512xf32>
    %swap3A_210 = vector.shape_cast %reshape3A_203 : vector<100x8x512xf32> to vector<1x100x8x512xf32>
    tpu.vector_store %arg17[%swap3A_204, %swap3A_205, %swap3A_206, %swap3A_207], %swap3A_210 {strides = array<i32>} : memref<1x100x8x512xf32, #tpu.memory_space<vmem>>, vector<1x100x8x512xf32>,
    %dot_general3A_211 = arith.constant dense<0.000000e+00> : vector<800x1001xf32>
    %dot_general3A_212 = tpu.matmul %reshape3A_181, %convert_element_type3A_88, %dot_general3A_211 {dimension_numbers = #tpu.dot_dimension_numbers<[1], [0], [0], [1], [0, 0, 1, 1], [], []>, transpose_lhs_hint = false} : vector<800x832xbf16>, vector<832x1001xbf16>, vector<800x1001xf32> -> vector<800x1001xf32>
    %reshape3A_213 = vector.shape_cast %dot_general3A_212 : vector<800x1001xf32> to vector<100x8x1001xf32>
    %swap3A_214 = arith.constant 0 : index
    %swap3A_215 = arith.constant 0 : index
    %swap3A_216 = arith.constant 0 : index
    %swap3A_217 = arith.constant 0 : index
    %swap3A_218 = vector.load %arg15[%swap3A_214, %swap3A_215, %swap3A_216, %swap3A_217] : memref<1x100x8x1001xf32, #tpu.memory_space<vmem>>, vector<1x100x8x1001xf32>
    %swap3A_219 = vector.shape_cast %swap3A_218 : vector<1x100x8x1001xf32> to vector<100x8x1001xf32>
    %swap3A_220 = vector.shape_cast %reshape3A_213 : vector<100x8x1001xf32> to vector<1x100x8x1001xf32>
    tpu.vector_store %arg15[%swap3A_214, %swap3A_215, %swap3A_216, %swap3A_217], %swap3A_220 {strides = array<i32>} : memref<1x100x8x1001xf32, #tpu.memory_space<vmem>>, vector<1x100x8x1001xf32>,
    return
  }
  func.func @transform_0(%arg0: i32, %arg1: i32) -> (i32, i32, i32) {
    %c0_i32 = arith.constant 0 : i32
    %c0_i32_0 = arith.constant 0 : i32
    %c0_i32_1 = arith.constant 0 : i32
    return %arg0, %c0_i32, %c0_i32_0 : i32, i32, i32
  }
  func.func @transform_1(%arg0: i32, %arg1: i32) -> (i32, i32, i32) {
    %c0_i32 = arith.constant 0 : i32
    %c0_i32_0 = arith.constant 0 : i32
    return %arg0, %arg1, %c0_i32 : i32, i32, i32
  }
  func.func @transform_2(%arg0: i32, %arg1: i32) -> (i32, i32, i32) {
    %c0_i32 = arith.constant 0 : i32
    %c0_i32_0 = arith.constant 0 : i32
    return %arg0, %arg1, %c0_i32 : i32, i32, i32
  }
  func.func @transform_3(%arg0: i32, %arg1: i32) -> (i32, i32, i32, i32) {
    %c0_i32 = arith.constant 0 : i32
    %c0_i32_0 = arith.constant 0 : i32
    %c0_i32_1 = arith.constant 0 : i32
    return %arg0, %arg1, %c0_i32, %c0_i32_0 : i32, i32, i32, i32
  }
  func.func @transform_4(%arg0: i32, %arg1: i32) -> (i32, i32) {
    %c0_i32 = arith.constant 0 : i32
    %c0_i32_0 = arith.constant 0 : i32
    %c0_i32_1 = arith.constant 0 : i32
    return %c0_i32, %c0_i32_0 : i32, i32
  }
  func.func @transform_5(%arg0: i32, %arg1: i32) -> (i32, i32) {
    %c0_i32 = arith.constant 0 : i32
    %c0_i32_0 = arith.constant 0 : i32
    %c0_i32_1 = arith.constant 0 : i32
    return %c0_i32, %c0_i32_0 : i32, i32
  }
  func.func @transform_6(%arg0: i32, %arg1: i32) -> (i32, i32) {
    %c0_i32 = arith.constant 0 : i32
    %c0_i32_0 = arith.constant 0 : i32
    %c0_i32_1 = arith.constant 0 : i32
    return %c0_i32, %c0_i32_0 : i32, i32
  }
  func.func @transform_7(%arg0: i32, %arg1: i32) -> (i32, i32) {
    %c0_i32 = arith.constant 0 : i32
    %c0_i32_0 = arith.constant 0 : i32
    %c0_i32_1 = arith.constant 0 : i32
    return %c0_i32, %c0_i32_0 : i32, i32
  }
  func.func @transform_8(%arg0: i32, %arg1: i32) -> (i32, i32) {
    %c0_i32 = arith.constant 0 : i32
    %c0_i32_0 = arith.constant 0 : i32
    %c0_i32_1 = arith.constant 0 : i32
    return %c0_i32, %c0_i32_0 : i32, i32
  }
  func.func @transform_9(%arg0: i32, %arg1: i32) -> (i32, i32) {
    %c0_i32 = arith.constant 0 : i32
    %c0_i32_0 = arith.constant 0 : i32
    %c0_i32_1 = arith.constant 0 : i32
    return %c0_i32, %c0_i32_0 : i32, i32
  }
  func.func @transform_10(%arg0: i32, %arg1: i32) -> (i32, i32) {
    %c0_i32 = arith.constant 0 : i32
    %c0_i32_0 = arith.constant 0 : i32
    %c0_i32_1 = arith.constant 0 : i32
    return %c0_i32, %c0_i32_0 : i32, i32
  }
  func.func @transform_11(%arg0: i32, %arg1: i32) -> (i32, i32) {
    %c0_i32 = arith.constant 0 : i32
    %c0_i32_0 = arith.constant 0 : i32
    %c0_i32_1 = arith.constant 0 : i32
    return %c0_i32, %c0_i32_0 : i32, i32
  }
  func.func @transform_12(%arg0: i32, %arg1: i32) -> (i32, i32) {
    %c0_i32 = arith.constant 0 : i32
    %c0_i32_0 = arith.constant 0 : i32
    %c0_i32_1 = arith.constant 0 : i32
    return %c0_i32, %c0_i32_0 : i32, i32
  }
  func.func @transform_13(%arg0: i32, %arg1: i32) -> (i32, i32, i32, i32) {
    %c0_i32 = arith.constant 0 : i32
    %c0_i32_0 = arith.constant 0 : i32
    %c0_i32_1 = arith.constant 0 : i32
    return %arg0, %c0_i32, %arg1, %c0_i32_0 : i32, i32, i32, i32
  }
  func.func @transform_14(%arg0: i32, %arg1: i32) -> (i32, i32, i32, i32) {
    %c0_i32 = arith.constant 0 : i32
    %c0_i32_0 = arith.constant 0 : i32
    %c0_i32_1 = arith.constant 0 : i32
    return %arg0, %c0_i32, %arg1, %c0_i32_0 : i32, i32, i32, i32
  }
  func.func @transform_15(%arg0: i32, %arg1: i32) -> (i32, i32, i32, i32) {
    %c0_i32 = arith.constant 0 : i32
    %c0_i32_0 = arith.constant 0 : i32
    %c0_i32_1 = arith.constant 0 : i32
    return %arg0, %c0_i32, %arg1, %c0_i32_0 : i32, i32, i32, i32
  }
}

</mosaic_0001>

<sc_bundles>
// kernel: sparse-core-data-format-call.1.cloned.1.call-start
scs
called_computation.1_lowered:
.L_overlay_start_0:
0x0: {  	s2 =	sld [smem:$0x3FD9]  }
0x1: {  	s3 =	sld [smem:$0x3FFE];
	_ =	sdelay $0x1  }
0x2: {  	s1 =	srdreg.scid  }
0x3: {  	s0 =	sand.u32 $0x1, s1  }
0x4: {  	s16 =	sshll.u32 s0, $0xA;
	s2 =	sadd.s32 s3, s2  }
0x5: {  	s2 =	sadd.s32 s2, s16  }
0x6: {  	[smem:$0x3FBB] =	sst s2  }
0x7: {  	_ = 	snop  }
0x8: {  	s2 =	sld [smem:$0x3FD0];
	_ =	sdelay $0x2  }
0x9: {  	s17 =	simm.s32 $0xB;
	s4 =	simm.s32 $0x10  }
0xa: {  	[smem:s4], [sflag:s17] =	dma.local [hbm:s2], $0x1  }
0xb: {  	_ =	swait.eq [sflag:s17], $0x1  }
0xc: {  	[sflag:s17] =	ssyncset.done $0x0  }
0xd: {  	[sflag:s17] =	ssyncadd.s32 $0xFFFFFFFF  }
0xe: {  	s18 =	sld [smem:$0x10];
	(tm) =	ssettm $0x1  }
0xf: {  	s19 =	sld [smem:$0x3FFB];
	_ =	sdelay $0x3  }
0x10: {  	_ =	strace s19  }
0x11: {  	s2 =	sld [smem:$0x3FFC];
	_ =	sdelay $0x3  }
0x12: {  	_ =	strace s2  }
0x13: {  	s2 =	sld [smem:$0x3FFD];
	_ =	sdelay $0x3  }
0x14: {  	_ =	strace s2  }
0x15: {  	_ =	strace $0x8FFFFFFF  }
0x16: {  	s20 =	sld [smem:$0x3FDB];
	_ =	sdelay $0x1  }
0x17: {  	s21 =	simm.s32 $_scs_section_size  }
0x18: {  	s5 =	simm.s32 $_size__tile_overlayer_lowered;
	s6 =	simm.s32 $_tile_overlayer_lowered  }
0x19: {  	s7 =	simm.s32 $0x1BFF;
	s22 =	sshll.u32 s6, $0x1;
	s4 =	sadd.s32 s21, s20  }
0x1a: {  	s23 =	simm.s32 $0x0;
	s5 =	sshll.u32 s5, $0x1;
	s6 =	sadd.s32 s22, s4  }
0x1b: {  	[timem:s23], [sflag:s7] =	dma.local [hbm:s6], s5  }
0x1c: {  	_ =	swait.ge [sflag:s7], s5  }
0x1d: {  	s5 =	ssub.s32 $0x0, s5;
	[sflag:s7] =	ssyncset.done $0x0  }
0x1e: {  	[sflag:s7] =	ssyncadd.s32 s5;
	_ =	sdelay $0x1  }
0x1f: {  	s24 =	simm.s32 $0x1B8B  }
0x20: {  	_ =	swait.ge [sflag:s24], $0x1  }
0x21: {  	[sflag:s24] =	ssyncset.done $0x0  }
0x22: {  	[sflag:s24] =	ssyncadd.s32 $0xFFFFFFFF  }
0x23: {  	s5 =	sld [smem:$0x0]  }
0x24: {  	s6 =	sand.u32 $0xFFFFFFFE, s1  }
0x25: {  	p0 =	sne.s32 s1, s6  }
0x26: {  	s6 =	sshll.u32 @p0 s6, $0xE  }
0x27: {  	s6 =	sadd.s32 @p0 $0x11B8D, s6;
	s7 =	sshll.u32 @p0 s5, $0x11  }
0x28: {  	s6 =	sor.u32 @p0 s7, s6  }
0x29: {  	[sflag:s6] =	ssyncadd.remote.s32 @p0 $0x1;
	_ =	sdelay $0x1  }
0x2a: {  	s6 =	simm.s32 @p0 $0x1B8D  }
0x2b: {  	_ =	swait.eq @p0 [sflag:s6], $0x1  }
0x2c: {  	[sflag:s6] =	ssyncadd.s32 @p0 $0xFFFFFFFF  }
0x2d: {  	s7 =	sshll.u32 @!p0 s1, $0xE  }
0x2e: {  	s7 =	sor.u32 @!p0 $0x4000, s7;
	s6 =	simm.s32 @!p0 $0x1B8D  }
0x2f: {  	s5 =	sshll.u32 @!p0 s5, $0x11;
	s7 =	sadd.s32 @!p0 $0x11B8D, s7;
	_ =	swait.eq @!p0 [sflag:s6], $0x1  }
0x30: {  	s5 =	sor.u32 @!p0 s5, s7;
	[sflag:s6] =	ssyncadd.s32 @!p0 $0xFFFFFFFF  }
0x31: {  	s26 =	simm.s32 $0x1B8E;
	s25 =	sld [smem:$0x3FFE];
	[sflag:s5] =	ssyncadd.remote.s32 @!p0 $0x1  }
0x32: {  	s27 =	simm.s32 $execute0_lowered;
	[smem:$0x3FD2] =	sst s26  }
0x33: {  	s6 =	sshll.u32 s27, $0x1;
	_ =	strace $0x80000049;
	[dreg:$0x1] =	wrdreg $0xFFFFFFFF  }
0x34: {  	s28 =	simm.s32 $_size_execute0_lowered;
	s4 =	sadd.s32 s4, s6;
	[dreg:$0x0] =	wrdreg $0x0  }
0x35: {  	s6 =	sshll.u32 s28, $0x1;
	[dreg:$0x2] =	wrdreg s4  }
0x36: {  	[dreg:$0x3] =	wrdreg s6  }
0x37: {  	[dreg:$0x4] =	wrdreg $0xC0  }
0x38: {  	_ =	task [dreg:s23], $0x5FFFF  }
0x39: {  	[dreg:$0x1] =	wrdreg $0xFFFFFFFF  }
0x3a: {  	[dreg:$0x0] =	wrdreg $0x60  }
0x3b: {  	[dreg:$0x2] =	wrdreg s25  }
0x3c: {  	[dreg:$0x3] =	wrdreg s18  }
0x3d: {  	[dreg:$0x4] =	wrdreg $0xA  }
0x3e: {  	_ =	task.clear_ibuf [dreg:s23], $0x5FFFF;
	_ =	strace $0x90000049  }
0x3f: {  	s29 =	simm.s32 $0xA;
	_ =	strace $0x8000004B  }
0x40: {  	_ =	swait.ge [sflag:s29], $0x1  }
0x41: {  	[sflag:s29] =	ssyncadd.s32 $0xFFFFFFFF  }
0x42: {  	_ =	strace $0x9000004B  }
0x43: {  	_ =	sfence  }
0x44: {  	s30 =	sld [smem:$0x0];
	_ =	sdelay $0x2  }
0x45: {  	s31 =	sshll.u32 s1, $0xD;
	s1 =	sshrl.u32 s1, $0x2  }
0x46: {  	s4 =	sand.u32 $0x4000, s31;
	s1 =	sadd.s32 s1, s30  }
0x47: {  	s0 =	sor.u32 s4, s0;
	s1 =	sshll.u32 s1, $0x11  }
0x48: {  	s0 =	sor.u32 s1, s0  }
0x49: {  	s0 =	sadd.s32 $0x8F2B, s0  }
0x4a: {  	[sflag:s0] =	ssyncadd.remote.s32 $0x1  }
0x4b: {  	_ =	sfence.sel $0xFFFF  }
0x4c: {  	[dreg:$0x0] =	wrdreg $0xFFFFFFFF;
	(pc) =	sbr.abs _section_cstart, $3  }
0x4d: {  	[dreg:$0x1] =	wrdreg $0xFFFFFFFF  }
0x4e: {  	_ =	task.clear_ibuf [dreg:s23], $0x2FFFF;
	_ =	strace $0x9FFFFFFF  }
0x4f: {  	(tm) =	ssettm $0x7FFFFFFF  }
tec
execute0_lowered:
.L_overlay_start_1:
0x0: {  	(tag) =	ssettag $0x1  }
0x1: {  	s1 =	srdreg.scid  }
0x2: {  	s0 =	stileid.u32;
	s6 =	rddreg [dreg:$0x0]  }
0x3: {  	s3 =	rddreg [dreg:$0x1];
	_ =	strace $0x8000004A;
	s31 =	simm.s32 $0x2  }
0x4: {  	s18 =	simm.s32 $0x0;
	s10 =	simm.s32 $0x800;
	s11 =	simm.s32 $0x1000  }
0x5: {  	s20 =	simm.s32 $0x0;
	s19 =	simm.s32 $0x0;
	s21 =	simm.s32 $0x0  }
0x6: {  	s12 =	simm.s32 $0x0;
	s13 =	simm.s32 $0x0;
	s1 =	sshll.u32 s1, $0x9  }
0x7: {  	s14 =	simm.s32 $0x0;
	s28 =	sshll.u32 s0, $0xC;
	s2 =	sand.u32 $0x200, s1  }
0x8: {  	s16 =	simm.s32 $0x0;
	s1 =	sand.u32 $0xE000, s28;
	s4 =	sshll.u32 s2, $0x3  }
0x9: {  	s17 =	simm.s32 $0x0;
	s26 =	simm.s32 $0x0;
	s1 =	sor.u32 s1, s4  }
0xa: {  	s5 =	sshll.u32 s0, $0x2;
	s4 =	sshrl.u32 s1, $0x3;
	p0 =	slt.u32 s1, $0xE000  }
0xb: {  	s7 =	sand.u32 $0x1FFFFF80, s4;
	s4 =	sand.u32 $0x38, s5;
	s5 =	sand.u32 $0x1, s0  }
0xc: {  	s1 =	sadd.s32 $0xFFFFE400, s7;
	s8 =	ssub.s32 $0x32, s4;
	s29 =	ssub.s32 $0x64, s5  }
0xd: {  	s1 =	smov.u32 @p0 s7;
	p0 =	sgt.s32 s8, $0x0;
	s30 =	sshrl.u32 s29, $0x1  }
.Ltmp0:
0xe: {  	s9 =	sand.u32 $0x1, s29;
	s8 =	simm.s32 @!p0 $0x0;
	(pc) =	sbr.rel .LBB1_1-.Ltmp0, $4  }
0xf: {  	s1 =	sadd.s32 s1, s6;
	s6 =	simm.s32 $0x1;
	s8 =	sand.u32 $0x3A, s8  }
0x10: {  	s7 =	sadd.s32 s9, s30;
	[sflag:s6] =	ssyncpa.u1 $0x0;
	p0 =	seq.s32 s8, $0x0  }
0x11: {  	s15 =	smov.u32 s5;
	[sflag:s31] =	ssyncpa.u1 $0x0;
	s7 =	simm.s32 @p0 $0x0  }
0x12: {  	s8 =	sadd.s32 $0x3C6000, s1;
	p0 =	por $0x0, $0x0;
	s9 =	sadd.s32 $0x1, s7  }
.LBB1_7:
0x13: {  	p1 =	slt.u32 s17, $0x2  }
0x14: {  	s1 =	smov.u32 s20;
	p2 =	sgt.s32 @!p1 s20, $0x63  }
0x15: {  	s21 =	sshra.s32 @!p1 s20, $0x1F;
	p3 =	sgt.s32 @!p1 s18, $0x31;
	p2 =	por !p2, p1  }
0x16: {  	s20 =	sand.u32 @!p1 s21, s20;
	p3 =	por !p3, p1;
	s1 =	simm.s32 @p2 $0x63  }
0x17: {  	p2 =	sgt.s32 @!p1 s18, $0x2A;
	s1 =	ssub.s32 @!p1 s1, s20;
	s20 =	ssub.s32 @!p1 $0x0, s19  }
0x18: {  	p2 =	por !p2, p1;
	s21 =	sadd.s32 @!p1 $0xFFFFFF9D, s1;
	s19 =	smin.u32 @!p1 s19, s20  }
0x19: {  	s18 =	simm.s32 @p2 $0x2A;
	p2 =	sgt.s32 @!p1 s19, $0x3;
	s19 =	sshll.u32 @!p1 s19, $0x9  }
0x1a: {  	s18 =	ssub.s32 @!p1 $0x32, s18;
	s19 =	ssub.s32 @!p1 $0x800, s19;
	p2 =	por !p2, p1  }
0x1b: {  	s18 =	simm.s32 @!p3 $0x0;
	p3 =	sgt.s32 @!p1 s21, $0x0;
	s19 =	simm.s32 @!p2 $0x0  }
0x1c: {  	s1 =	ssub.s32 @!p1 $0x64, s1;
	p2 =	por !p3, p1;
	s18 =	smul.u32 @!p1 s18, s19  }
0x1d: {  	s22 =	sadd.s32 $0x2, s15;
	s23 =	smov.u32 s16;
	s1 =	simm.s32 @!p2 $0x0  }
0x1e: {  	p2 =	sgt.s32 s22, $0x63;
	s1 =	smul.u32 @!p1 s1, s18;
	s18 =	sadd.s32 $0x4, s16  }
0x1f: {  	s24 =	sadd.s32 $0x1, s17;
	p0 =	por !p0, !p0;
	s23 =	smov.u32 @p2 s18  }
0x20: {  	s20 =	smov.u32 s13;
	s22 =	smov.u32 @p2 s5;
	p2 =	sgt.s32 s23, $0x3  }
0x21: {  	s13 =	smov.u32 s15;
	s23 =	simm.s32 @p2 $0x0;
	p2 =	sne.s32 s17, s9  }
.Ltmp1:
0x22: {  	s21 =	simm.s32 @!p1 $0x2;
	s19 =	smov.u32 s14;
	(pc) =	sbr.rel @!p2 .LBB1_8-.Ltmp1, $4  }
0x23: {  	s14 =	smov.u32 s16;
	s15 =	smov.u32 s22;
	s1 =	sand.u32 @!p1 $0x3FFFFE00, s1  }
0x24: {  	s18 =	smov.u32 s12;
	s12 =	smov.u32 s4;
	_ =	swait.ge @!p1 [sflag:s21], s1  }
0x25: {  	s1 =	ssub.s32 @!p1 $0x0, s1;
	s17 =	smov.u32 s24;
	[sflag:s21] =	ssyncset.done @!p1 $0x0  }
0x26: {  	s16 =	smov.u32 s23;
	[sflag:s21] =	ssyncadd.s32 @!p1 s1;
	s21 =	smov.u32 s2  }
.LBB1_1:
0x27: {  	p1 =	sge.u32 s17, s7  }
0x28: {  	s22 =	smul.u32 @!p1 $0xAF000, s16  }
0x29: {  	s31 =	sadd.s32 $0xFFFFFFFF, s17;
	s1 =	sxor.u32 @!p1 $0xFFFFFFFF, s17;
	s23 =	smul.u32 @!p1 $0x1C00, s15  }
0x2a: {  	s24 =	simm.s32 @!p1 $0x578000;
	s1 =	sshll.u32 @!p1 s1, $0xE;
	s22 =	sadd.s32 @!p1 s22, s8  }
0x2b: {  	s1 =	sand.u32 @!p1 $0x4000, s1;
	s22 =	sadd.s32 @!p1 s23, s22;
	s23 =	simm.s32 @!p1 $0x1000  }
0x2c: {  	[tilespmem:s1], [sflag:$0x1] =	stream.strided.gather @!p1 [hbm4b:s22+s23], $0x4000, s24, s23, $0x38;
	[tilespmem:$0x10000] =	vst v63  }
0x2d: {  	p1 =	sge.u32 s31, s7  }
.Ltmp2:
0x2e: {  	_ = 	snop;
	(pc) =	sbr.rel @p1 .LBB1_7-.Ltmp2, $1  }
0x2f: {  	_ =	sdelay $0x3  }
0x30: {  	s1 =	simm.s32 $0x1;
	_ =	swait.ge [sflag:s6], $0x4000;
	s22 =	sshll.u32 s17, $0xE  }
0x31: {  	s27 =	simm.s32 $0x0;
	s1 =	simm.s32 @!p0 $0x0;
	[sflag:s6] =	ssyncset.done $0x0  }
0x32: {  	s25 =	sand.u32 $0x4000, s22;
	s1 =	sshll.u32 s1, $0xE;
	[sflag:s6] =	ssyncadd.s32 $0xFFFFC000  }
0x33: {  	s22 =	sor.u32 $0x8000, s25;
	s23 =	sor.u32 $0x8400, s1;
	s24 =	sor.u32 $0x810, s1  }
.LBB1_3:
0x34: {  	v4 =	vld [tilespmem:s24+$0xFFFFF7F0]  }
0x35: {  	v5 =	vld [tilespmem:s24+$0xFFFFF800]  }
0x36: {  	s1 =	sshll.u32 s27, $0xC;
	v6 =	vld [tilespmem:s24+$0xFFFFF810]  }
0x37: {  	v0 =	vmov s1  }
0x38: {  	v7 =	vld [tilespmem:s24+$0xFFFFF820]  }
0x39: {  	s1 =	sand.u32 $0x200, s26;
	[tilespmem:s23+$0xFFFFFC00] =	vst v4;
	v4 =	vld [tilespmem:s24+$0xFFFFF860]  }
0x3a: {  	s28 =	sand.u32 $0x180, s26;
	s1 =	sadd.s32 s1, s25;
	[tilespmem:s23+$0xFFFFFC10] =	vst v5;
	v5 =	vld [tilespmem:s24+$0xFFFFFC00]  }
0x3b: {  	s1 =	sadd.s32 s28, s1;
	[tilespmem:s23+$0xFFFFFC20] =	vst v6;
	v6 =	vld [tilespmem:s24+$0xFFFFFC10]  }
0x3c: {  	v1 =	vld.idx.msk [tilespmem:v0+s1+$0xC00 ss:$0x1], $0xffff  }
0x3d: {  	v2 =	vld.idx.msk [tilespmem:v0+s1+$0x400 ss:$0x1], $0xffff  }
0x3e: {  	[tilespmem:s23+$0xFFFFFC30] =	vst v7;
	v3 =	vld.idx.msk [tilespmem:v0+s1+$0x800 ss:$0x1], $0xffff  }
0x3f: {  	v7 =	vld [tilespmem:s24+$0x40];
	[tilespmem:s23+$0xFFFFFC70] =	vst v4  }
0x40: {  	v4 =	vld [tilespmem:s24+$0xFFFFFC50];
	[tilespmem:s23+$0xFFFFFE10] =	vst v5  }
0x41: {  	[tilespmem:s23+$0x200] =	vst v1;
	v1 =	vld [tilespmem:s24+$0xFFFFF830]  }
0x42: {  	[tilespmem:s23+$0xFFFFFE00] =	vst v2;
	v2 =	vld [tilespmem:s24+$0xFFFFF840]  }
0x43: {  	[tilespmem:s23+$0x0] =	vst v3;
	v3 =	vld [tilespmem:s24+$0xFFFFF850]  }
0x44: {  	v5 =	vld [tilespmem:s24+$0xFFFFFC60];
	[tilespmem:s23+$0xFFFFFE20] =	vst v6  }
0x45: {  	v6 =	vld [tilespmem:s24+$0x0];
	[tilespmem:s23+$0x50] =	vst v7  }
0x46: {  	[tilespmem:s23+$0xFFFFFC40] =	vst v1;
	v1 =	vld [tilespmem:s24+$0xFFFFFC20]  }
0x47: {  	[tilespmem:s23+$0xFFFFFC50] =	vst v2;
	v2 =	vld [tilespmem:s24+$0xFFFFFC30]  }
0x48: {  	[tilespmem:s23+$0xFFFFFC60] =	vst v3;
	v3 =	vld [tilespmem:s24+$0xFFFFFC40]  }
0x49: {  	[tilespmem:s23+$0xFFFFFE70] =	vst v5;
	v5 =	vld [tilespmem:s24+$0x50]  }
0x4a: {  	[tilespmem:s23+$0x10] =	vst v6;
	v6 =	vld [tilespmem:s24+$0x60]  }
0x4b: {  	[tilespmem:s23+$0xFFFFFE30] =	vst v1;
	v1 =	vld [tilespmem:s24+$0x10]  }
0x4c: {  	[tilespmem:s23+$0xFFFFFE40] =	vst v2;
	v2 =	vld [tilespmem:s24+$0x20]  }
0x4d: {  	[tilespmem:s23+$0xFFFFFE50] =	vst v3;
	v3 =	vld [tilespmem:s24+$0x30]  }
0x4e: {  	[tilespmem:s23+$0xFFFFFE60] =	vst v4;
	v4 =	vld [tilespmem:s24+$0x400]  }
0x4f: {  	[tilespmem:s23+$0x60] =	vst v5;
	v5 =	vld [tilespmem:s24+$0x440]  }
0x50: {  	[tilespmem:s23+$0x20] =	vst v1;
	v1 =	vld [tilespmem:s24+$0x410]  }
0x51: {  	s31 =	simm.s32 $0x80;
	s30 =	simm.s32 $0x100;
	[tilespmem:s23+$0x30] =	vst v2;
	v2 =	vld [tilespmem:s24+$0x420]  }
0x52: {  	s29 =	smov.u32 s24;
	s28 =	smov.u32 s23;
	s1 =	sand.u32 $0x200, s31;
	[tilespmem:s23+$0x40] =	vst v3;
	v3 =	vld [tilespmem:s24+$0x430]  }
.LBB1_4:
0x53: {  	p1 =	sne.s32 s30, $0x380;
	s31 =	sand.u32 $0x180, s31;
	s1 =	sadd.s32 s1, s25;
	[tilespmem:s28+$0x70] =	vst v6;
	v6 =	vld [tilespmem:s29+$0x450]  }
0x54: {  	s1 =	sadd.s32 s31, s1;
	[tilespmem:s28+$0x210] =	vst v4;
	v4 =	vld [tilespmem:s29+$0x460];
	s31 =	smov.u32 s30  }
0x55: {  	v7 =	vld.idx.msk [tilespmem:v0+s1+$0xC00 ss:$0x1], $0xffff;
	[tilespmem:s28+$0x220] =	vst v1  }
0x56: {  	v1 =	vld.idx.msk [tilespmem:v0+s1+$0x400 ss:$0x1], $0xffff;
	[tilespmem:s28+$0x230] =	vst v2  }
0x57: {  	s29 =	sadd.s32 $0x80, s29;
	v2 =	vld.idx.msk [tilespmem:v0+s1+$0x800 ss:$0x1], $0xffff;
	[tilespmem:s28+$0x240] =	vst v3  }
0x58: {  	v3 =	vld [tilespmem:s29+$0xFFFFF7F0];
	[tilespmem:s28+$0x250] =	vst v5  }
0x59: {  	v5 =	vld [tilespmem:s29+$0xFFFFF800];
	[tilespmem:s28+$0x260] =	vst v6  }
0x5a: {  	v6 =	vld [tilespmem:s29+$0xFFFFF810];
	[tilespmem:s28+$0x270] =	vst v4;
	s28 =	sadd.s32 $0x800, s28  }
0x5b: {  	v4 =	vld [tilespmem:s29+$0xFFFFF820];
	[tilespmem:s28+$0x200] =	vst v7  }
0x5c: {  	v7 =	vld [tilespmem:s29+$0xFFFFF830];
	[tilespmem:s28+$0xFFFFFE00] =	vst v1  }
0x5d: {  	v1 =	vld [tilespmem:s29+$0xFFFFF840];
	[tilespmem:s28+$0x0] =	vst v2  }
0x5e: {  	[tilespmem:s28+$0xFFFFFC00] =	vst v3;
	v2 =	vld [tilespmem:s29+$0xFFFFF850]  }
0x5f: {  	[tilespmem:s28+$0xFFFFFC10] =	vst v5;
	v3 =	vld [tilespmem:s29+$0xFFFFF860]  }
0x60: {  	[tilespmem:s28+$0xFFFFFC20] =	vst v6;
	v5 =	vld [tilespmem:s29+$0xFFFFFC00]  }
0x61: {  	[tilespmem:s28+$0xFFFFFC30] =	vst v4;
	v4 =	vld [tilespmem:s29+$0xFFFFFC10]  }
0x62: {  	[tilespmem:s28+$0xFFFFFC40] =	vst v7;
	v6 =	vld [tilespmem:s29+$0xFFFFFC20]  }
0x63: {  	[tilespmem:s28+$0xFFFFFC50] =	vst v1;
	v1 =	vld [tilespmem:s29+$0xFFFFFC30]  }
0x64: {  	[tilespmem:s28+$0xFFFFFC60] =	vst v2;
	v2 =	vld [tilespmem:s29+$0xFFFFFC40]  }
0x65: {  	[tilespmem:s28+$0xFFFFFC70] =	vst v3;
	v3 =	vld [tilespmem:s29+$0xFFFFFC50]  }
0x66: {  	[tilespmem:s28+$0xFFFFFE10] =	vst v5;
	v5 =	vld [tilespmem:s29+$0xFFFFFC60]  }
0x67: {  	[tilespmem:s28+$0xFFFFFE20] =	vst v4;
	v4 =	vld [tilespmem:s29+$0x0]  }
0x68: {  	[tilespmem:s28+$0xFFFFFE30] =	vst v6;
	v7 =	vld [tilespmem:s29+$0x10]  }
0x69: {  	[tilespmem:s28+$0xFFFFFE40] =	vst v1;
	v1 =	vld [tilespmem:s29+$0x20]  }
0x6a: {  	[tilespmem:s28+$0xFFFFFE50] =	vst v2;
	v2 =	vld [tilespmem:s29+$0x30]  }
0x6b: {  	[tilespmem:s28+$0xFFFFFE60] =	vst v3;
	v3 =	vld [tilespmem:s29+$0x40]  }
0x6c: {  	[tilespmem:s28+$0xFFFFFE70] =	vst v5;
	v5 =	vld [tilespmem:s29+$0x50]  }
0x6d: {  	[tilespmem:s28+$0x10] =	vst v4;
	v6 =	vld [tilespmem:s29+$0x60]  }
.Ltmp3:
0x6e: {  	[tilespmem:s28+$0x20] =	vst v7;
	v4 =	vld [tilespmem:s29+$0x400];
	(pc) =	sbr.rel @p1 .LBB1_4-.Ltmp3, $4  }
0x6f: {  	[tilespmem:s28+$0x30] =	vst v1;
	v1 =	vld [tilespmem:s29+$0x410]  }
0x70: {  	[tilespmem:s28+$0x40] =	vst v2;
	v2 =	vld [tilespmem:s29+$0x420]  }
0x71: {  	[tilespmem:s28+$0x50] =	vst v3;
	v3 =	vld [tilespmem:s29+$0x430]  }
0x72: {  	s30 =	sadd.s32 $0x80, s30;
	s1 =	sand.u32 $0x200, s31;
	[tilespmem:s28+$0x60] =	vst v5;
	v5 =	vld [tilespmem:s29+$0x440]  }
0x73: {  	_ = 	snop  }
0x74: {  	[tilespmem:s28+$0x70] =	vst v6  }
0x75: {  	s30 =	sand.u32 $0x180, s31;
	s1 =	sadd.s32 s1, s25;
	v30 =	vld [tilespmem:s29+$0x450];
	[tilespmem:s28+$0x210] =	vst v4  }
0x76: {  	v31 =	vld [tilespmem:s29+$0x460];
	s1 =	sadd.s32 s30, s1;
	[tilespmem:s28+$0x220] =	vst v1  }
0x77: {  	v32 =	vld.idx.msk [tilespmem:v0+s1+$0xC00 ss:$0x1], $0xffff;
	[tilespmem:s28+$0x230] =	vst v2  }
0x78: {  	v33 =	vld.idx.msk [tilespmem:v0+s1+$0x400 ss:$0x1], $0xffff;
	[tilespmem:s28+$0x240] =	vst v3  }
0x79: {  	s30 =	sadd.s32 $0x80, s29;
	v34 =	vld.idx.msk [tilespmem:v0+s1+$0x800 ss:$0x1], $0xffff;
	[tilespmem:s28+$0x250] =	vst v5  }
0x7a: {  	v35 =	vld [tilespmem:s30+$0xFFFFF7F0];
	[tilespmem:s28+$0x260] =	vst v30  }
0x7b: {  	s31 =	sadd.s32 $0x800, s28;
	v36 =	vld [tilespmem:s30+$0xFFFFF800];
	[tilespmem:s28+$0x270] =	vst v31  }
0x7c: {  	v37 =	vld [tilespmem:s30+$0xFFFFF810];
	[tilespmem:s31+$0x200] =	vst v32  }
0x7d: {  	v38 =	vld [tilespmem:s30+$0xFFFFF820];
	[tilespmem:s31+$0xFFFFFE00] =	vst v33  }
0x7e: {  	v39 =	vld [tilespmem:s30+$0xFFFFF830];
	[tilespmem:s31+$0x0] =	vst v34  }
0x7f: {  	v40 =	vld [tilespmem:s30+$0xFFFFF840];
	[tilespmem:s31+$0xFFFFFC00] =	vst v35  }
0x80: {  	v41 =	vld [tilespmem:s30+$0xFFFFF850];
	[tilespmem:s31+$0xFFFFFC10] =	vst v36  }
0x81: {  	v42 =	vld [tilespmem:s30+$0xFFFFF860];
	[tilespmem:s31+$0xFFFFFC20] =	vst v37  }
0x82: {  	v43 =	vld [tilespmem:s30+$0xFFFFFC00];
	[tilespmem:s31+$0xFFFFFC30] =	vst v38  }
0x83: {  	v44 =	vld [tilespmem:s30+$0xFFFFFC10];
	[tilespmem:s31+$0xFFFFFC40] =	vst v39  }
0x84: {  	v45 =	vld [tilespmem:s30+$0xFFFFFC20];
	[tilespmem:s31+$0xFFFFFC50] =	vst v40  }
0x85: {  	v46 =	vld [tilespmem:s30+$0xFFFFFC30];
	[tilespmem:s31+$0xFFFFFC60] =	vst v41  }
0x86: {  	v47 =	vld [tilespmem:s30+$0xFFFFFC40];
	[tilespmem:s31+$0xFFFFFC70] =	vst v42  }
0x87: {  	v48 =	vld [tilespmem:s30+$0xFFFFFC50];
	[tilespmem:s31+$0xFFFFFE10] =	vst v43  }
0x88: {  	v49 =	vld [tilespmem:s30+$0xFFFFFC60];
	[tilespmem:s31+$0xFFFFFE20] =	vst v44  }
0x89: {  	v50 =	vld [tilespmem:s30+$0x0];
	[tilespmem:s31+$0xFFFFFE30] =	vst v45  }
0x8a: {  	v51 =	vld [tilespmem:s30+$0x10];
	[tilespmem:s31+$0xFFFFFE40] =	vst v46  }
0x8b: {  	v52 =	vld [tilespmem:s30+$0x20];
	[tilespmem:s31+$0xFFFFFE50] =	vst v47  }
0x8c: {  	v53 =	vld [tilespmem:s30+$0x30];
	[tilespmem:s31+$0xFFFFFE60] =	vst v48  }
0x8d: {  	v54 =	vld [tilespmem:s30+$0x40];
	[tilespmem:s31+$0xFFFFFE70] =	vst v49  }
0x8e: {  	v55 =	vld [tilespmem:s30+$0x50];
	[tilespmem:s31+$0x10] =	vst v50  }
0x8f: {  	v56 =	vld [tilespmem:s30+$0x60];
	[tilespmem:s31+$0x20] =	vst v51  }
0x90: {  	v57 =	vld [tilespmem:s30+$0x400];
	[tilespmem:s31+$0x30] =	vst v52  }
0x91: {  	v58 =	vld [tilespmem:s30+$0x410];
	[tilespmem:s31+$0x40] =	vst v53  }
0x92: {  	v59 =	vld [tilespmem:s30+$0x420];
	[tilespmem:s31+$0x50] =	vst v54  }
0x93: {  	v60 =	vld [tilespmem:s30+$0x430];
	[tilespmem:s31+$0x60] =	vst v55  }
0x94: {  	v61 =	vld [tilespmem:s30+$0x440];
	[tilespmem:s31+$0x70] =	vst v56  }
0x95: {  	s27 =	sadd.s32 $0x1, s27;
	v62 =	vld [tilespmem:s30+$0x450];
	[tilespmem:s31+$0x210] =	vst v57  }
0x96: {  	p1 =	sne.s32 s27, $0x4;
	v63 =	vld [tilespmem:s30+$0x460];
	[tilespmem:s31+$0x220] =	vst v58  }
.Ltmp4:
0x97: {  	[tilespmem:s31+$0x230] =	vst v59;
	(pc) =	sbr.rel @p1 .LBB1_3-.Ltmp4, $4  }
0x98: {  	[tilespmem:s31+$0x240] =	vst v60  }
0x99: {  	[tilespmem:s31+$0x250] =	vst v61  }
0x9a: {  	[tilespmem:s31+$0x260] =	vst v62  }
0x9b: {  	s23 =	sadd.s32 $0x80, s23;
	s24 =	sadd.s32 $0x1000, s24;
	[tilespmem:s31+$0x270] =	vst v63  }
0x9c: {  	p1 =	sgt.s32 s13, $0x63  }
0x9d: {  	s1 =	smov.u32 s13;
	s23 =	sshra.s32 s13, $0x1F;
	s24 =	smov.u32 s12  }
0x9e: {  	s25 =	ssub.s32 $0x0, s14;
	s29 =	smul.u32 $0x6400, s13;
	s30 =	sshll.u32 s14, $0x4  }
0x9f: {  	s1 =	simm.s32 @!p1 $0x63;
	p1 =	sgt.s32 s12, $0x2A;
	s23 =	sand.u32 s23, s13  }
0xa0: {  	s25 =	smin.u32 s14, s25;
	s24 =	simm.s32 @!p1 $0x2A;
	p1 =	sgt.u32 s12, $0x31  }
0xa1: {  	s1 =	ssub.s32 s1, s23;
	s27 =	sshll.u32 s25, $0x9;
	s24 =	ssub.s32 $0x32, s24  }
0xa2: {  	s23 =	ssub.s32 $0x800, s27;
	s24 =	simm.s32 @p1 $0x0;
	p1 =	sgt.s32 s25, $0x3  }
0xa3: {  	s28 =	sadd.s32 $0xFFFFFF9D, s1;
	s1 =	ssub.s32 $0x64, s1;
	s23 =	simm.s32 @p1 $0x0  }
0xa4: {  	s25 =	sadd.s32 s3, s29;
	p1 =	sgt.s32 s28, $0x0;
	s23 =	smul.u32 s24, s23  }
.Ltmp5:
0xa5: {  	s1 =	simm.s32 @p1 $0x0;
	s24 =	sand.u32 $0x30, s30;
	(pc) =	sbr.rel .LBB1_7-.Ltmp5, $4  }
0xa6: {  	s31 =	sshll.u32 s12, $0x9;
	s24 =	sadd.s32 s24, s25;
	s1 =	smul.u32 s1, s23  }
0xa7: {  	s21 =	sshrl.u32 s21, $0x1;
	s23 =	sadd.s32 s31, s24  }
0xa8: {  	s21 =	sadd.s32 s21, s23;
	s1 =	sand.u32 $0x3FFFFE00, s1  }
0xa9: {  	[hbm4b:s21+s10] =	stream.strided.scatter [tilespmem:s22], [sflag:$0x2], s1, s11, s10, $0x38;
	[tilespmem:$0x10000] =	vst v63  }
.LBB1_8:
0xaa: {  	_ =	sfence.sel $0x180000  }
0xab: {  	s1 =	simm.s32 $0x1;
	[bflag:$0x0] =	sbarrier.arrive $0xFFFF  }
0xac: {  	s31 =	simm.s32 $0x2;
	[sflag:s1] =	ssyncpa.u1 $0x1  }
0xad: {  	[sflag:s31] =	ssyncpa.u1 $0x1  }
0xae: {  	_ =	strace $0x9000004A  }
0xaf: {  	[bflag:$0x2] =	sbarrier.arrive $0xFFFF  }
0xb0: {  	p0 =	sne.s32 s0, $0x0;
	s0 =	rddreg [dreg:$0x2]  }
0xb1: {  	s0 =	sadd.s32 @!p0 $0x100000, s0  }
0xb2: {  	[sflag:s0] =	ssyncadd.tile.s32 @!p0 $0x1;
	_ =	shalt  }
.Lfunc_end1:
_tile_overlayer_lowered:
.L_overlay_start_2:
0xb3: {  	(tag) =	ssettag $0x2  }
0xb4: {  	s0 =	rddreg [dreg:$0x0];
	s2 =	stileid.u32  }
0xb5: {  	s1 =	rddreg [dreg:$0x1];
	p0 =	sne.s32 s2, $0x0  }
0xb6: {  	s3 =	rddreg [dreg:$0x2];
	[bflag:$0x3] =	sbarrier.arrive $0xFFFF;
	s2 =	simm.s32 @!p0 $0x1C01  }
0xb7: {  	[timem:s3], [sflag:s2] =	dma.local @!p0 [hbm:s0], s1  }
0xb8: {  	s0 =	simm.s32 @!p0 $0x1  }
0xb9: {  	_ =	swait.ge @!p0 [sflag:s0], s1  }
0xba: {  	s1 =	ssub.s32 @!p0 $0x0, s1;
	[sflag:s0] =	ssyncset.done @!p0 $0x0  }
0xbb: {  	[sflag:s0] =	ssyncadd.s32 @!p0 s1  }
0xbc: {  	[bflag:$0x3] =	sbarrier.arrive $0xFFFF  }
0xbd: {  	_ =	shalt  }

// kernel: sparse-core-data-format-call.cloned.1.call-start
scs
called_computation_lowered:
.L_overlay_start_0:
0x0: {  	s2 =	sld [smem:$0x3FD9]  }
0x1: {  	s3 =	sld [smem:$0x3FFE];
	_ =	sdelay $0x1  }
0x2: {  	s1 =	srdreg.scid  }
0x3: {  	s0 =	sand.u32 $0x1, s1  }
0x4: {  	s15 =	sshll.u32 s0, $0xA;
	s2 =	sadd.s32 s3, s2  }
0x5: {  	s2 =	sadd.s32 s2, s15  }
0x6: {  	[smem:$0x3FBB] =	sst s2  }
0x7: {  	_ = 	snop  }
0x8: {  	s2 =	sld [smem:$0x3FD0];
	_ =	sdelay $0x2  }
0x9: {  	s16 =	simm.s32 $0xB;
	s4 =	simm.s32 $0x10  }
0xa: {  	[smem:s4], [sflag:s16] =	dma.local [hbm:s2], $0x1  }
0xb: {  	_ =	swait.eq [sflag:s16], $0x1  }
0xc: {  	[sflag:s16] =	ssyncset.done $0x0  }
0xd: {  	[sflag:s16] =	ssyncadd.s32 $0xFFFFFFFF  }
0xe: {  	s17 =	sld [smem:$0x12];
	(tm) =	ssettm $0x1  }
0xf: {  	s18 =	sld [smem:$0x3FFB];
	_ =	sdelay $0x3  }
0x10: {  	_ =	strace s18  }
0x11: {  	s3 =	sld [smem:$0x3FFC];
	_ =	sdelay $0x3  }
0x12: {  	_ =	strace s3  }
0x13: {  	s3 =	sld [smem:$0x3FFD];
	_ =	sdelay $0x3  }
0x14: {  	_ =	strace s3  }
0x15: {  	_ =	strace $0x8FFFFFFF  }
0x16: {  	s19 =	sld [smem:$0x3FDB];
	_ =	sdelay $0x1  }
0x17: {  	s20 =	simm.s32 $_scs_section_size  }
0x18: {  	s5 =	simm.s32 $_size__tile_overlayer_lowered;
	s6 =	simm.s32 $_tile_overlayer_lowered  }
0x19: {  	s23 =	simm.s32 $0x1BFF;
	s22 =	sshll.u32 s6, $0x1;
	s3 =	sadd.s32 s20, s19  }
0x1a: {  	s7 =	simm.s32 $0x0;
	s21 =	sshll.u32 s5, $0x1;
	s5 =	sadd.s32 s22, s3  }
0x1b: {  	[timem:s7], [sflag:s23] =	dma.local [hbm:s5], s21  }
0x1c: {  	_ =	swait.ge [sflag:s23], s21  }
0x1d: {  	s4 =	ssub.s32 $0x0, s21;
	[sflag:s23] =	ssyncset.done $0x0  }
0x1e: {  	[sflag:s23] =	ssyncadd.s32 s4;
	_ =	sdelay $0x1  }
0x1f: {  	s24 =	simm.s32 $0x1B8B  }
0x20: {  	_ =	swait.ge [sflag:s24], $0x1  }
0x21: {  	[sflag:s24] =	ssyncset.done $0x0  }
0x22: {  	s26 =	simm.s32 $0x1B8E;
	s25 =	sld [smem:$0x3FFE];
	[sflag:s24] =	ssyncadd.s32 $0xFFFFFFFF  }
0x23: {  	s27 =	simm.s32 $execute0_lowered;
	[smem:$0x3FD2] =	sst s26  }
0x24: {  	s5 =	sshll.u32 s27, $0x1;
	_ =	strace $0x80000046;
	[dreg:$0x1] =	wrdreg $0xFFFFFFFF  }
0x25: {  	s28 =	simm.s32 $_size_execute0_lowered;
	s3 =	sadd.s32 s3, s5;
	[dreg:$0x0] =	wrdreg $0x0  }
0x26: {  	s5 =	sshll.u32 s28, $0x1;
	[dreg:$0x2] =	wrdreg s3  }
0x27: {  	[dreg:$0x3] =	wrdreg s5  }
0x28: {  	[dreg:$0x4] =	wrdreg $0xC0  }
0x29: {  	_ =	task [dreg:s7], $0x5FFFF  }
0x2a: {  	[dreg:$0x1] =	wrdreg $0xFFFFFFFF  }
0x2b: {  	[dreg:$0x0] =	wrdreg $0x60  }
0x2c: {  	[dreg:$0x2] =	wrdreg s25  }
0x2d: {  	[dreg:$0x3] =	wrdreg s17  }
0x2e: {  	[dreg:$0x4] =	wrdreg $0x9  }
0x2f: {  	_ =	task.clear_ibuf [dreg:s7], $0x5FFFF;
	_ =	strace $0x90000046  }
0x30: {  	s29 =	simm.s32 $0x9;
	_ =	strace $0x80000048  }
0x31: {  	_ =	swait.ge [sflag:s29], $0x1  }
0x32: {  	[sflag:s29] =	ssyncadd.s32 $0xFFFFFFFF  }
0x33: {  	_ =	strace $0x90000048  }
0x34: {  	_ =	sfence  }
0x35: {  	s30 =	sld [smem:$0x0];
	_ =	sdelay $0x2  }
0x36: {  	s31 =	sshll.u32 s1, $0xD;
	s1 =	sshrl.u32 s1, $0x2  }
0x37: {  	s3 =	sand.u32 $0x4000, s31;
	s1 =	sadd.s32 s1, s30  }
0x38: {  	s0 =	sor.u32 s3, s0;
	s1 =	sshll.u32 s1, $0x11  }
0x39: {  	s0 =	sor.u32 s1, s0  }
0x3a: {  	s0 =	sadd.s32 $0x8F2B, s0  }
0x3b: {  	[sflag:s0] =	ssyncadd.remote.s32 $0x1  }
0x3c: {  	_ =	sfence.sel $0xFFFF  }
0x3d: {  	[dreg:$0x0] =	wrdreg $0xFFFFFFFF;
	(pc) =	sbr.abs _section_cstart, $3  }
0x3e: {  	[dreg:$0x1] =	wrdreg $0xFFFFFFFF  }
0x3f: {  	_ =	task.clear_ibuf [dreg:s7], $0x2FFFF;
	_ =	strace $0x9FFFFFFF  }
0x40: {  	(tm) =	ssettm $0x7FFFFFFF  }
0x41: {  	_ =	shalt  }
tec
execute0_lowered:
.L_overlay_start_1:
0x0: {  	(tag) =	ssettag $0x1  }
0x1: {  	s0 =	stileid.u32  }
0x2: {  	s1 =	srdreg.scid;
	s5 =	rddreg [dreg:$0x0];
	s4 =	simm.s32 $0x1  }
0x3: {  	s31 =	simm.s32 $0x2;
	s17 =	simm.s32 $0x0;
	s18 =	simm.s32 $0x0  }
0x4: {  	s16 =	simm.s32 $0x0;
	s10 =	simm.s32 $0x0;
	s11 =	simm.s32 $0x0  }
0x5: {  	s12 =	simm.s32 $0x0;
	s1 =	sshll.u32 s1, $0x5;
	s2 =	sshll.u32 s0, $0x1  }
0x6: {  	s14 =	simm.s32 $0x0;
	s1 =	sor.u32 s2, s1;
	s2 =	rddreg [dreg:$0x1]  }
0x7: {  	s15 =	simm.s32 $0x0;
	s3 =	sand.u32 $0x38, s1;
	s1 =	rddreg [dreg:$0x2]  }
0x8: {  	p0 =	seq.s32 s3, $0x38;
	s6 =	sshll.u32 s3, $0x6;
	s7 =	ssub.s32 $0x32, s3  }
0x9: {  	_ =	strace $0x80000047;
	s6 =	simm.s32 @p0 $0x0;
	p0 =	sgt.s32 s7, $0x0  }
.Ltmp0:
0xa: {  	[sflag:s4] =	ssyncpa.u1 $0x0;
	s7 =	simm.s32 @!p0 $0x0;
	(pc) =	sbr.rel .LBB1_1-.Ltmp0, $4  }
0xb: {  	[sflag:s31] =	ssyncpa.u1 $0x0;
	s8 =	sadd.s32 s6, s5;
	s30 =	sand.u32 $0x3A, s7  }
0xc: {  	s5 =	simm.s32 $0x0;
	s6 =	sand.u32 $0x3, s0;
	p0 =	seq.s32 s30, $0x0  }
0xd: {  	s7 =	simm.s32 $0x0;
	s8 =	sadd.s32 $0x268000, s8;
	s5 =	simm.s32 @!p0 $0x19  }
0xe: {  	s13 =	smov.u32 s6;
	p0 =	por $0x0, $0x0;
	s9 =	sadd.s32 $0x1, s5  }
.LBB1_7:
0xf: {  	p1 =	slt.u32 s15, $0x2;
	s19 =	smov.u32 s18  }
0x10: {  	s21 =	smov.u32 s14;
	p2 =	sgt.s32 @!p1 s18, $0x63;
	s20 =	sshra.s32 @!p1 s18, $0x1F  }
0x11: {  	p3 =	sgt.s32 @!p1 s17, $0x31;
	p2 =	por !p2, p1;
	s18 =	sand.u32 @!p1 s20, s18  }
0x12: {  	p3 =	por !p3, p1;
	s19 =	simm.s32 @p2 $0x63;
	p2 =	sgt.s32 @!p1 s17, $0x2A  }
0x13: {  	s18 =	ssub.s32 @!p1 s19, s18;
	p2 =	por !p2, p1;
	s19 =	ssub.s32 @!p1 $0x0, s16  }
0x14: {  	s20 =	sadd.s32 @!p1 $0xFFFFFF9D, s18;
	s17 =	simm.s32 @p2 $0x2A;
	s16 =	smin.u32 @!p1 s16, s19  }
0x15: {  	s18 =	ssub.s32 @!p1 $0x64, s18;
	p2 =	sgt.s32 @!p1 s16, $0x3;
	s16 =	sshll.u32 @!p1 s16, $0x9  }
0x16: {  	s17 =	ssub.s32 @!p1 $0x32, s17;
	s16 =	ssub.s32 @!p1 $0x800, s16;
	p2 =	por !p2, p1  }
0x17: {  	s17 =	simm.s32 @!p3 $0x0;
	p3 =	sgt.s32 @!p1 s20, $0x0;
	s16 =	simm.s32 @!p2 $0x0  }
0x18: {  	s19 =	sadd.s32 $0x4, s13;
	p2 =	por !p3, p1;
	s16 =	smul.u32 @!p1 s17, s16  }
0x19: {  	s18 =	simm.s32 @!p2 $0x0;
	p2 =	sgt.s32 s19, $0x63;
	s17 =	sadd.s32 $0x4, s14  }
0x1a: {  	s23 =	sadd.s32 $0x1, s15;
	p0 =	por !p0, !p0;
	s21 =	smov.u32 @p2 s17  }
0x1b: {  	s20 =	simm.s32 @!p1 $0x2;
	s19 =	smov.u32 @p2 s6;
	p2 =	sgt.s32 s21, $0x3  }
0x1c: {  	s16 =	smul.u32 @!p1 s18, s16;
	s21 =	simm.s32 @p2 $0x0;
	p2 =	sne.s32 s15, s9  }
.Ltmp1:
0x1d: {  	s17 =	smov.u32 s10;
	s10 =	smov.u32 s3;
	(pc) =	sbr.rel @!p2 .LBB1_8-.Ltmp1, $4  }
0x1e: {  	s18 =	smov.u32 s11;
	s11 =	smov.u32 s13;
	s16 =	sand.u32 @!p1 $0x3FFFFE00, s16  }
0x1f: {  	s13 =	smov.u32 s19;
	s15 =	smov.u32 s23;
	_ =	swait.ge @!p1 [sflag:s20], s16  }
0x20: {  	s22 =	ssub.s32 @!p1 $0x0, s16;
	s16 =	smov.u32 s12;
	[sflag:s20] =	ssyncset.done @!p1 $0x0  }
0x21: {  	s12 =	smov.u32 s14;
	s14 =	smov.u32 s21;
	[sflag:s20] =	ssyncadd.s32 @!p1 s22  }
.LBB1_1:
0x22: {  	p1 =	sge.u32 s15, s5  }
0x23: {  	s20 =	smul.u32 @!p1 $0x57800, s14  }
0x24: {  	s31 =	sadd.s32 $0xFFFFFFFF, s15;
	s19 =	sxor.u32 @!p1 $0xFFFFFFFF, s15;
	s21 =	smul.u32 @!p1 $0xE00, s13  }
0x25: {  	s22 =	simm.s32 @!p1 $0x2BC000;
	s19 =	sshll.u32 @!p1 s19, $0xE;
	s20 =	sadd.s32 @!p1 s20, s8  }
0x26: {  	s19 =	sand.u32 @!p1 $0x4000, s19;
	s20 =	sadd.s32 @!p1 s21, s20;
	s21 =	simm.s32 @!p1 $0x1000  }
0x27: {  	[tilespmem:s19], [sflag:$0x1] =	stream.strided.gather @!p1 [hbm4b:s20+s21], $0x4000, s22, s21, $0x38;
	[tilespmem:$0x10000] =	vst v63  }
0x28: {  	p1 =	sge.u32 s31, s5  }
.Ltmp2:
0x29: {  	_ = 	snop;
	(pc) =	sbr.rel @p1 .LBB1_7-.Ltmp2, $1  }
0x2a: {  	_ =	sdelay $0x3  }
0x2b: {  	s19 =	simm.s32 $0x1  }
0x2c: {  	_ =	swait.ge [sflag:s4], $0x4000;
	s22 =	sshll.u32 s15, $0xE;
	s23 =	simm.s32 $0x0  }
0x2d: {  	s24 =	simm.s32 $0x0;
	s19 =	simm.s32 @!p0 $0x0;
	[sflag:s4] =	ssyncset.done $0x0  }
0x2e: {  	s22 =	sand.u32 $0x4000, s22;
	s19 =	sshll.u32 s19, $0xE;
	[sflag:s4] =	ssyncadd.s32 $0xFFFFC000  }
0x2f: {  	s20 =	sor.u32 $0x8400, s19;
	s21 =	sor.u32 $0x810, s19;
	s19 =	sor.u32 $0x8000, s22  }
.LBB1_3:
0x30: {  	v4 =	vld [tilespmem:s21+$0xFFFFF7F0]  }
0x31: {  	v5 =	vld [tilespmem:s21+$0xFFFFF800]  }
0x32: {  	s25 =	sshll.u32 s24, $0xC;
	v6 =	vld [tilespmem:s21+$0xFFFFF810]  }
0x33: {  	v0 =	vmov s25  }
0x34: {  	v7 =	vld [tilespmem:s21+$0xFFFFF820]  }
0x35: {  	s31 =	sand.u32 $0x200, s23;
	[tilespmem:s20+$0xFFFFFC00] =	vst v4;
	v4 =	vld [tilespmem:s21+$0xFFFFF860]  }
0x36: {  	s26 =	sand.u32 $0x180, s23;
	s25 =	sadd.s32 s31, s22;
	[tilespmem:s20+$0xFFFFFC10] =	vst v5;
	v5 =	vld [tilespmem:s21+$0xFFFFFC00]  }
0x37: {  	s25 =	sadd.s32 s26, s25;
	[tilespmem:s20+$0xFFFFFC20] =	vst v6;
	v6 =	vld [tilespmem:s21+$0xFFFFFC10]  }
0x38: {  	v1 =	vld.idx.msk [tilespmem:v0+s25+$0xC00 ss:$0x1], $0xffff  }
0x39: {  	v2 =	vld.idx.msk [tilespmem:v0+s25+$0x400 ss:$0x1], $0xffff  }
0x3a: {  	[tilespmem:s20+$0xFFFFFC30] =	vst v7;
	v3 =	vld.idx.msk [tilespmem:v0+s25+$0x800 ss:$0x1], $0xffff  }
0x3b: {  	v7 =	vld [tilespmem:s21+$0x40];
	[tilespmem:s20+$0xFFFFFC70] =	vst v4  }
0x3c: {  	v4 =	vld [tilespmem:s21+$0xFFFFFC50];
	[tilespmem:s20+$0xFFFFFE10] =	vst v5  }
0x3d: {  	[tilespmem:s20+$0x200] =	vst v1;
	v1 =	vld [tilespmem:s21+$0xFFFFF830]  }
0x3e: {  	[tilespmem:s20+$0xFFFFFE00] =	vst v2;
	v2 =	vld [tilespmem:s21+$0xFFFFF840]  }
0x3f: {  	[tilespmem:s20+$0x0] =	vst v3;
	v3 =	vld [tilespmem:s21+$0xFFFFF850]  }
0x40: {  	v5 =	vld [tilespmem:s21+$0xFFFFFC60];
	[tilespmem:s20+$0xFFFFFE20] =	vst v6  }
0x41: {  	v6 =	vld [tilespmem:s21+$0x0];
	[tilespmem:s20+$0x50] =	vst v7  }
0x42: {  	[tilespmem:s20+$0xFFFFFC40] =	vst v1;
	v1 =	vld [tilespmem:s21+$0xFFFFFC20]  }
0x43: {  	[tilespmem:s20+$0xFFFFFC50] =	vst v2;
	v2 =	vld [tilespmem:s21+$0xFFFFFC30]  }
0x44: {  	[tilespmem:s20+$0xFFFFFC60] =	vst v3;
	v3 =	vld [tilespmem:s21+$0xFFFFFC40]  }
0x45: {  	[tilespmem:s20+$0xFFFFFE70] =	vst v5;
	v5 =	vld [tilespmem:s21+$0x50]  }
0x46: {  	[tilespmem:s20+$0x10] =	vst v6;
	v6 =	vld [tilespmem:s21+$0x60]  }
0x47: {  	[tilespmem:s20+$0xFFFFFE30] =	vst v1;
	v1 =	vld [tilespmem:s21+$0x10]  }
0x48: {  	[tilespmem:s20+$0xFFFFFE40] =	vst v2;
	v2 =	vld [tilespmem:s21+$0x20]  }
0x49: {  	[tilespmem:s20+$0xFFFFFE50] =	vst v3;
	v3 =	vld [tilespmem:s21+$0x30]  }
0x4a: {  	[tilespmem:s20+$0xFFFFFE60] =	vst v4;
	v4 =	vld [tilespmem:s21+$0x400]  }
0x4b: {  	[tilespmem:s20+$0x60] =	vst v5;
	v5 =	vld [tilespmem:s21+$0x440]  }
0x4c: {  	[tilespmem:s20+$0x20] =	vst v1;
	v1 =	vld [tilespmem:s21+$0x410]  }
0x4d: {  	s28 =	simm.s32 $0x80;
	s27 =	simm.s32 $0x100;
	[tilespmem:s20+$0x30] =	vst v2;
	v2 =	vld [tilespmem:s21+$0x420]  }
0x4e: {  	s29 =	sand.u32 $0x200, s28;
	s26 =	smov.u32 s21;
	s25 =	smov.u32 s20;
	[tilespmem:s20+$0x40] =	vst v3;
	v3 =	vld [tilespmem:s21+$0x430]  }
.LBB1_4:
0x4f: {  	p1 =	sne.s32 s27, $0x380;
	s28 =	sand.u32 $0x180, s28;
	s29 =	sadd.s32 s29, s22;
	[tilespmem:s25+$0x70] =	vst v6;
	v6 =	vld [tilespmem:s26+$0x450]  }
0x50: {  	s29 =	sadd.s32 s28, s29;
	[tilespmem:s25+$0x210] =	vst v4;
	v4 =	vld [tilespmem:s26+$0x460];
	s28 =	smov.u32 s27  }
0x51: {  	v7 =	vld.idx.msk [tilespmem:v0+s29+$0xC00 ss:$0x1], $0xffff;
	[tilespmem:s25+$0x220] =	vst v1  }
0x52: {  	v1 =	vld.idx.msk [tilespmem:v0+s29+$0x400 ss:$0x1], $0xffff;
	[tilespmem:s25+$0x230] =	vst v2  }
0x53: {  	s26 =	sadd.s32 $0x80, s26;
	v2 =	vld.idx.msk [tilespmem:v0+s29+$0x800 ss:$0x1], $0xffff;
	[tilespmem:s25+$0x240] =	vst v3  }
0x54: {  	v3 =	vld [tilespmem:s26+$0xFFFFF7F0];
	[tilespmem:s25+$0x250] =	vst v5  }
0x55: {  	v5 =	vld [tilespmem:s26+$0xFFFFF800];
	[tilespmem:s25+$0x260] =	vst v6  }
0x56: {  	v6 =	vld [tilespmem:s26+$0xFFFFF810];
	[tilespmem:s25+$0x270] =	vst v4;
	s25 =	sadd.s32 $0x800, s25  }
0x57: {  	v4 =	vld [tilespmem:s26+$0xFFFFF820];
	[tilespmem:s25+$0x200] =	vst v7  }
0x58: {  	v7 =	vld [tilespmem:s26+$0xFFFFF830];
	[tilespmem:s25+$0xFFFFFE00] =	vst v1  }
0x59: {  	v1 =	vld [tilespmem:s26+$0xFFFFF840];
	[tilespmem:s25+$0x0] =	vst v2  }
0x5a: {  	[tilespmem:s25+$0xFFFFFC00] =	vst v3;
	v2 =	vld [tilespmem:s26+$0xFFFFF850]  }
0x5b: {  	[tilespmem:s25+$0xFFFFFC10] =	vst v5;
	v3 =	vld [tilespmem:s26+$0xFFFFF860]  }
0x5c: {  	[tilespmem:s25+$0xFFFFFC20] =	vst v6;
	v5 =	vld [tilespmem:s26+$0xFFFFFC00]  }
0x5d: {  	[tilespmem:s25+$0xFFFFFC30] =	vst v4;
	v4 =	vld [tilespmem:s26+$0xFFFFFC10]  }
0x5e: {  	[tilespmem:s25+$0xFFFFFC40] =	vst v7;
	v6 =	vld [tilespmem:s26+$0xFFFFFC20]  }
0x5f: {  	[tilespmem:s25+$0xFFFFFC50] =	vst v1;
	v1 =	vld [tilespmem:s26+$0xFFFFFC30]  }
0x60: {  	[tilespmem:s25+$0xFFFFFC60] =	vst v2;
	v2 =	vld [tilespmem:s26+$0xFFFFFC40]  }
0x61: {  	[tilespmem:s25+$0xFFFFFC70] =	vst v3;
	v3 =	vld [tilespmem:s26+$0xFFFFFC50]  }
0x62: {  	[tilespmem:s25+$0xFFFFFE10] =	vst v5;
	v5 =	vld [tilespmem:s26+$0xFFFFFC60]  }
0x63: {  	[tilespmem:s25+$0xFFFFFE20] =	vst v4;
	v4 =	vld [tilespmem:s26+$0x0]  }
0x64: {  	[tilespmem:s25+$0xFFFFFE30] =	vst v6;
	v7 =	vld [tilespmem:s26+$0x10]  }
0x65: {  	[tilespmem:s25+$0xFFFFFE40] =	vst v1;
	v1 =	vld [tilespmem:s26+$0x20]  }
0x66: {  	[tilespmem:s25+$0xFFFFFE50] =	vst v2;
	v2 =	vld [tilespmem:s26+$0x30]  }
0x67: {  	[tilespmem:s25+$0xFFFFFE60] =	vst v3;
	v3 =	vld [tilespmem:s26+$0x40]  }
0x68: {  	[tilespmem:s25+$0xFFFFFE70] =	vst v5;
	v5 =	vld [tilespmem:s26+$0x50]  }
0x69: {  	[tilespmem:s25+$0x10] =	vst v4;
	v6 =	vld [tilespmem:s26+$0x60]  }
.Ltmp3:
0x6a: {  	[tilespmem:s25+$0x20] =	vst v7;
	v4 =	vld [tilespmem:s26+$0x400];
	(pc) =	sbr.rel @p1 .LBB1_4-.Ltmp3, $4  }
0x6b: {  	[tilespmem:s25+$0x30] =	vst v1;
	v1 =	vld [tilespmem:s26+$0x410]  }
0x6c: {  	[tilespmem:s25+$0x40] =	vst v2;
	v2 =	vld [tilespmem:s26+$0x420]  }
0x6d: {  	[tilespmem:s25+$0x50] =	vst v3;
	v3 =	vld [tilespmem:s26+$0x430]  }
0x6e: {  	s27 =	sadd.s32 $0x80, s27;
	s29 =	sand.u32 $0x200, s28;
	[tilespmem:s25+$0x60] =	vst v5;
	v5 =	vld [tilespmem:s26+$0x440]  }
0x6f: {  	[tilespmem:s25+$0x70] =	vst v6  }
0x70: {  	v30 =	vld [tilespmem:s26+$0x450];
	[tilespmem:s25+$0x210] =	vst v4  }
0x71: {  	v31 =	vld [tilespmem:s26+$0x460];
	s30 =	sadd.s32 $0x80, s26;
	[tilespmem:s25+$0x220] =	vst v1  }
0x72: {  	v35 =	vld [tilespmem:s30+$0xFFFFF7F0];
	[tilespmem:s25+$0x230] =	vst v2  }
0x73: {  	v36 =	vld [tilespmem:s30+$0xFFFFF800];
	[tilespmem:s25+$0x240] =	vst v3  }
0x74: {  	v37 =	vld [tilespmem:s30+$0xFFFFF810];
	[tilespmem:s25+$0x250] =	vst v5  }
0x75: {  	v38 =	vld [tilespmem:s30+$0xFFFFF820];
	[tilespmem:s25+$0x260] =	vst v30  }
0x76: {  	s31 =	sadd.s32 $0x800, s25;
	v39 =	vld [tilespmem:s30+$0xFFFFF830];
	[tilespmem:s25+$0x270] =	vst v31  }
0x77: {  	v40 =	vld [tilespmem:s30+$0xFFFFF840];
	[tilespmem:s31+$0xFFFFFC00] =	vst v35  }
0x78: {  	v41 =	vld [tilespmem:s30+$0xFFFFF850];
	[tilespmem:s31+$0xFFFFFC10] =	vst v36  }
0x79: {  	v42 =	vld [tilespmem:s30+$0xFFFFF860];
	[tilespmem:s31+$0xFFFFFC20] =	vst v37  }
0x7a: {  	v43 =	vld [tilespmem:s30+$0xFFFFFC00];
	[tilespmem:s31+$0xFFFFFC30] =	vst v38  }
0x7b: {  	v44 =	vld [tilespmem:s30+$0xFFFFFC10];
	[tilespmem:s31+$0xFFFFFC40] =	vst v39  }
0x7c: {  	v45 =	vld [tilespmem:s30+$0xFFFFFC20];
	[tilespmem:s31+$0xFFFFFC50] =	vst v40  }
0x7d: {  	v46 =	vld [tilespmem:s30+$0xFFFFFC30];
	[tilespmem:s31+$0xFFFFFC60] =	vst v41  }
0x7e: {  	v47 =	vld [tilespmem:s30+$0xFFFFFC40];
	[tilespmem:s31+$0xFFFFFC70] =	vst v42  }
0x7f: {  	v48 =	vld [tilespmem:s30+$0xFFFFFC50];
	[tilespmem:s31+$0xFFFFFE10] =	vst v43  }
0x80: {  	v49 =	vld [tilespmem:s30+$0xFFFFFC60];
	[tilespmem:s31+$0xFFFFFE20] =	vst v44  }
0x81: {  	v50 =	vld [tilespmem:s30+$0x0];
	[tilespmem:s31+$0xFFFFFE30] =	vst v45  }
0x82: {  	v51 =	vld [tilespmem:s30+$0x10];
	[tilespmem:s31+$0xFFFFFE40] =	vst v46  }
0x83: {  	v52 =	vld [tilespmem:s30+$0x20];
	[tilespmem:s31+$0xFFFFFE50] =	vst v47  }
0x84: {  	v53 =	vld [tilespmem:s30+$0x30];
	[tilespmem:s31+$0xFFFFFE60] =	vst v48  }
0x85: {  	v54 =	vld [tilespmem:s30+$0x40];
	[tilespmem:s31+$0xFFFFFE70] =	vst v49  }
0x86: {  	v55 =	vld [tilespmem:s30+$0x50];
	[tilespmem:s31+$0x10] =	vst v50  }
0x87: {  	v56 =	vld [tilespmem:s30+$0x60];
	[tilespmem:s31+$0x20] =	vst v51  }
0x88: {  	v57 =	vld [tilespmem:s30+$0x400];
	[tilespmem:s31+$0x30] =	vst v52  }
0x89: {  	v58 =	vld [tilespmem:s30+$0x410];
	[tilespmem:s31+$0x40] =	vst v53  }
0x8a: {  	v59 =	vld [tilespmem:s30+$0x420];
	[tilespmem:s31+$0x50] =	vst v54  }
0x8b: {  	v60 =	vld [tilespmem:s30+$0x430];
	[tilespmem:s31+$0x60] =	vst v55  }
0x8c: {  	v61 =	vld [tilespmem:s30+$0x440];
	[tilespmem:s31+$0x70] =	vst v56  }
0x8d: {  	s27 =	sand.u32 $0x180, s28;
	s29 =	sadd.s32 s29, s22;
	v62 =	vld [tilespmem:s30+$0x450];
	[tilespmem:s31+$0x210] =	vst v57  }
0x8e: {  	s27 =	sadd.s32 s27, s29;
	v63 =	vld [tilespmem:s30+$0x460];
	[tilespmem:s31+$0x220] =	vst v58  }
0x8f: {  	v32 =	vld.idx.msk [tilespmem:v0+s27+$0xC00 ss:$0x1], $0xffff;
	[tilespmem:s31+$0x230] =	vst v59  }
0x90: {  	s24 =	sadd.s32 $0x1, s24;
	v33 =	vld.idx.msk [tilespmem:v0+s27+$0x400 ss:$0x1], $0xffff;
	[tilespmem:s31+$0x240] =	vst v60  }
0x91: {  	p1 =	sne.s32 s24, $0x4;
	v34 =	vld.idx.msk [tilespmem:v0+s27+$0x800 ss:$0x1], $0xffff;
	[tilespmem:s31+$0x250] =	vst v61  }
.Ltmp4:
0x92: {  	[tilespmem:s31+$0x260] =	vst v62;
	(pc) =	sbr.rel @p1 .LBB1_3-.Ltmp4, $4  }
0x93: {  	[tilespmem:s31+$0x270] =	vst v63  }
0x94: {  	[tilespmem:s31+$0x200] =	vst v32  }
0x95: {  	[tilespmem:s31+$0xFFFFFE00] =	vst v33  }
0x96: {  	s20 =	sadd.s32 $0x80, s20;
	s21 =	sadd.s32 $0x1000, s21;
	[tilespmem:s31+$0x0] =	vst v34  }
0x97: {  	p1 =	sgt.s32 s11, $0x63;
	s20 =	smov.u32 s11  }
0x98: {  	s21 =	sshra.s32 s11, $0x1F;
	s22 =	ssub.s32 $0x0, s12;
	s23 =	smov.u32 s10  }
0x99: {  	p2 =	sgt.u32 s10, $0x31;
	s28 =	smul.u32 $0x3200, s11;
	s20 =	simm.s32 @!p1 $0x63  }
0x9a: {  	s21 =	sand.u32 s21, s11;
	p1 =	sgt.s32 s10, $0x2A;
	s22 =	smin.u32 s12, s22  }
0x9b: {  	s23 =	simm.s32 @!p1 $0x2A;
	p1 =	sgt.s32 s22, $0x3;
	s22 =	sshll.u32 s22, $0x9  }
0x9c: {  	s20 =	ssub.s32 s20, s21;
	s23 =	ssub.s32 $0x32, s23;
	s22 =	ssub.s32 $0x800, s22  }
0x9d: {  	s21 =	sadd.s32 $0xFFFFFF9D, s20;
	s23 =	simm.s32 @p2 $0x0;
	s22 =	simm.s32 @p1 $0x0  }
0x9e: {  	s20 =	ssub.s32 $0x64, s20;
	p1 =	sgt.s32 s21, $0x0;
	s22 =	smul.u32 s23, s22  }
.Ltmp5:
0x9f: {  	s29 =	sshll.u32 s12, $0x4;
	s20 =	simm.s32 @p1 $0x0;
	(pc) =	sbr.rel .LBB1_7-.Ltmp5, $4  }
0xa0: {  	s30 =	sand.u32 $0x30, s29;
	s21 =	sadd.s32 s2, s28;
	s20 =	smul.u32 s20, s22  }
0xa1: {  	s31 =	sshll.u32 s10, $0x8;
	s21 =	sadd.s32 s30, s21  }
0xa2: {  	s21 =	sadd.s32 s31, s21;
	s20 =	sand.u32 $0x3FFFFE00, s20  }
0xa3: {  	[hbm4b:s21+s7] =	stream.linear.scatter [tilespmem:s19], [sflag:$0x2], s20, $0x38;
	[tilespmem:$0x10000] =	vst v63  }
.LBB1_8:
0xa4: {  	_ =	sfence.sel $0x180000  }
0xa5: {  	s2 =	simm.s32 $0x1;
	[bflag:$0x0] =	sbarrier.arrive $0xFFFF  }
0xa6: {  	s31 =	simm.s32 $0x2;
	[sflag:s2] =	ssyncpa.u1 $0x1  }
0xa7: {  	[sflag:s31] =	ssyncpa.u1 $0x1  }
0xa8: {  	p0 =	sne.s32 s0, $0x0;
	_ =	strace $0x90000047  }
0xa9: {  	s0 =	sadd.s32 @!p0 $0x100000, s1;
	[bflag:$0x2] =	sbarrier.arrive $0xFFFF  }
0xaa: {  	[sflag:s0] =	ssyncadd.tile.s32 @!p0 $0x1;
	_ =	shalt  }
.Lfunc_end1:
_tile_overlayer_lowered:
.L_overlay_start_2:
0xab: {  	(tag) =	ssettag $0x2  }
0xac: {  	s0 =	rddreg [dreg:$0x0];
	s2 =	stileid.u32  }
0xad: {  	s1 =	rddreg [dreg:$0x1];
	p0 =	sne.s32 s2, $0x0  }
0xae: {  	s3 =	rddreg [dreg:$0x2];
	[bflag:$0x3] =	sbarrier.arrive $0xFFFF;
	s2 =	simm.s32 @!p0 $0x1C01  }
0xaf: {  	[timem:s3], [sflag:s2] =	dma.local @!p0 [hbm:s0], s1  }
0xb0: {  	s0 =	simm.s32 @!p0 $0x1  }
0xb1: {  	_ =	swait.ge @!p0 [sflag:s0], s1  }
0xb2: {  	s1 =	ssub.s32 @!p0 $0x0, s1;
	[sflag:s0] =	ssyncset.done @!p0 $0x0  }
0xb3: {  	[sflag:s0] =	ssyncadd.s32 @!p0 s1  }
0xb4: {  	[bflag:$0x3] =	sbarrier.arrive $0xFFFF  }
0xb5: {  	_ =	shalt  }

</sc_bundles>
